<compile_context>
chip_gen: v7x
topology: tpu7x:2x2x1
jax: 0.10.2.dev20260603
libtpu: 0.0.44.dev20260713+nightly
codegen_flags: <defaults>
</compile_context>

<pallas_src>
import functools

import jax
import jax.numpy as jnp
from jax import lax
from jax.experimental import pallas as pl
from jax.experimental.pallas import tpu as pltpu
from jax.experimental.pallas import tpu_sc as plsc

B, N, G, D = 16, 2048, 128, 512
C = 512
NB_BLK = 2048
NB2_BLK = 4096
NSTEPS = (B * N) // NB_BLK
NBB = N // NB_BLK
TOT = float(B * N)

SC_NC, SC_NS, SC_L = 2, 16, 16
NW = SC_NC * SC_NS
PTS_W = (B * N) // NW
P_CHUNK = 32
N_CHUNKS = PTS_W // P_CHUNK
CW = C // 2


def _pack_bf16_pairs(acc):
    lo = lax.bitcast_convert_type(acc[:, :CW], jnp.uint32)
    hi = lax.bitcast_convert_type(acc[:, CW:], jnp.uint32)
    lo = lo + jnp.uint32(0x7FFF) + ((lo >> 16) & jnp.uint32(1))
    hi = hi + jnp.uint32(0x7FFF) + ((hi >> 16) & jnp.uint32(1))
    word = (lo >> 16) | (hi & jnp.uint32(0xFFFF0000))
    return lax.bitcast_convert_type(word, jnp.int32)


def _unpack_bf16_pairs(zi):
    lo = lax.bitcast_convert_type(zi << 16, jnp.float32)
    hi = lax.bitcast_convert_type(zi & jnp.int32(-65536), jnp.float32)
    return jnp.concatenate([lo, hi], axis=1)


def _k1a_body(h4, h8, h12, w1a, w1b, w1c, b1, f1, f1p):
    cdims = (((1,), (1,)), ((), ()))
    acc = lax.dot_general(h4[...], w1a[...], cdims,
                          preferred_element_type=jnp.float32)
    acc += lax.dot_general(h8[...], w1b[...], cdims,
                           preferred_element_type=jnp.float32)
    acc += lax.dot_general(h12[...], w1c[...], cdims,
                           preferred_element_type=jnp.float32)
    acc += b1[...]
    f1[...] = acc
    f1p[...] = _pack_bf16_pairs(acc)


def _k1a(h4, h8, h12, w1a, w1b, w1c, b1):
    grid = ((B * G) // NB_BLK,)
    blk = pl.BlockSpec((NB_BLK, D), lambda i: (i, 0))
    wblk = pl.BlockSpec((C, D), lambda i: (0, 0))
    return pl.pallas_call(
        _k1a_body,
        grid=grid,
        in_specs=[blk, blk, blk, wblk, wblk, wblk,
                  pl.BlockSpec((1, C), lambda i: (0, 0))],
        out_specs=[pl.BlockSpec((NB_BLK, C), lambda i: (i, 0)),
                   pl.BlockSpec((NB_BLK, CW), lambda i: (i, 0))],
        out_shape=[jax.ShapeDtypeStruct((B * G, C), jnp.float32),
                   jax.ShapeDtypeStruct((B * G, CW), jnp.int32)],
        compiler_params=pltpu.CompilerParams(
            dimension_semantics=("arbitrary",)),
    )(h4, h8, h12, w1a, w1b, w1c, b1)


def _k1b_body(xyz, cen, idx_out, w_out, m_out):
    nb = pl.program_id(1)
    x = xyz[0]
    c = cen[0]
    cg2 = jnp.sum(c * c, axis=1, keepdims=True)
    ones_row = jnp.ones((1, 3), jnp.float32)
    xn2 = lax.dot_general(ones_row, x * x,
                          (((1,), (1,)), ((), ())),
                          preferred_element_type=jnp.float32,
                          precision=lax.Precision.HIGHEST)
    cross = lax.dot_general(c, x, (((1,), (1,)), ((), ())),
                            preferred_element_type=jnp.float32)
    d = cg2 - 2.0 * cross + xn2
    iota_g = lax.broadcasted_iota(jnp.int32, (G, NB_BLK), 0)
    sels, mins = [], []
    for _ in range(3):
        m = jnp.min(d, axis=0, keepdims=True)
        cand = jnp.where(d == m, iota_g, G)
        sel = jnp.min(cand, axis=0, keepdims=True)
        oh = iota_g == sel
        d = jnp.where(oh, jnp.inf, d)
        sels.append(sel)
        mins.append(m)
    r0 = 1.0 / (mins[0] + 1e-8)
    r1 = 1.0 / (mins[1] + 1e-8)
    r2 = 1.0 / (mins[2] + 1e-8)
    rs = r0 + r1 + r2
    w0, w1, w2 = r0 / rs, r1 / rs, r2 / rs
    ws_t = (jnp.where(iota_g == sels[0], w0, 0.0)
            + jnp.where(iota_g == sels[1], w1, 0.0)
            + jnp.where(iota_g == sels[2], w2, 0.0))
    zrow = jnp.zeros((1, NB_BLK), jnp.int32)
    idx_out[0] = jnp.concatenate(
        sels + [zrow, zrow, zrow, zrow, zrow], axis=0)
    zrowf = jnp.zeros((1, NB_BLK), jnp.float32)
    w_out[0] = jnp.concatenate(
        [w0, w1, w2, zrowf, zrowf, zrowf, zrowf, zrowf], axis=0)
    m_blk = lax.dot_general(ws_t, ws_t, (((1,), (1,)), ((), ())),
                            preferred_element_type=jnp.float32)

    @pl.when(nb == 0)
    def _():
        m_out[0] = m_blk

    @pl.when(nb != 0)
    def _():
        m_out[0] += m_blk


def _k1b(xyz, centers):
    return pl.pallas_call(
        _k1b_body,
        grid=(B, NBB),
        in_specs=[
            pl.BlockSpec((1, NB_BLK, 3), lambda b, nb: (b, nb, 0)),
            pl.BlockSpec((1, G, 3), lambda b, nb: (b, 0, 0)),
        ],
        out_specs=[
            pl.BlockSpec((1, 8, NB_BLK), lambda b, nb: (b, 0, nb)),
            pl.BlockSpec((1, 8, NB_BLK), lambda b, nb: (b, 0, nb)),
            pl.BlockSpec((1, G, G), lambda b, nb: (b, 0, 0)),
        ],
        out_shape=[
            jax.ShapeDtypeStruct((B, 8, N), jnp.int32),
            jax.ShapeDtypeStruct((B, 8, N), jnp.float32),
            jax.ShapeDtypeStruct((B, G, G), jnp.float32),
        ],
        compiler_params=pltpu.CompilerParams(
            dimension_semantics=("arbitrary", "arbitrary")),
    )(xyz, centers)


def _k1c_body(m_ref, f1_ref, s1, ss1):
    b = pl.program_id(0)
    m = m_ref[0]
    f = f1_ref[0]
    colsum = jnp.sum(m, axis=0, keepdims=True)
    s_blk = jnp.dot(colsum, f, preferred_element_type=jnp.float32)
    mf = jnp.dot(m, f, preferred_element_type=jnp.float32)
    ss_blk = jnp.sum(mf * f, axis=0, keepdims=True)

    @pl.when(b == 0)
    def _():
        s1[...] = s_blk
        ss1[...] = ss_blk

    @pl.when(b != 0)
    def _():
        s1[...] += s_blk
        ss1[...] += ss_blk


def _k1c(m, f1_3d):
    return pl.pallas_call(
        _k1c_body,
        grid=(B,),
        in_specs=[
            pl.BlockSpec((1, G, G), lambda b: (b, 0, 0)),
            pl.BlockSpec((1, G, C), lambda b: (b, 0, 0)),
        ],
        out_specs=[
            pl.BlockSpec((1, C), lambda b: (0, 0)),
            pl.BlockSpec((1, C), lambda b: (0, 0)),
        ],
        out_shape=[
            jax.ShapeDtypeStruct((1, C), jnp.float32),
            jax.ShapeDtypeStruct((1, C), jnp.float32),
        ],
        compiler_params=pltpu.CompilerParams(
            dimension_semantics=("arbitrary",)),
    )(m, f1_3d)


def _sc_body(f1_hbm, idx_hbm, w_hbm, z_hbm,
             f1v, i0v, i1v, i2v, w0v, w1v, w2v, zbuf):
    wid = lax.axis_index("c") * SC_NS + lax.axis_index("s")
    b = wid // 2
    n0 = (wid % 2) * PTS_W
    pltpu.sync_copy(f1_hbm.at[pl.ds(b * G, G)], f1v)
    pltpu.sync_copy(idx_hbm.at[b, 0, pl.ds(n0, PTS_W)], i0v)
    pltpu.sync_copy(idx_hbm.at[b, 1, pl.ds(n0, PTS_W)], i1v)
    pltpu.sync_copy(idx_hbm.at[b, 2, pl.ds(n0, PTS_W)], i2v)
    pltpu.sync_copy(w_hbm.at[b, 0, pl.ds(n0, PTS_W)], w0v)
    pltpu.sync_copy(w_hbm.at[b, 1, pl.ds(n0, PTS_W)], w1v)
    pltpu.sync_copy(w_hbm.at[b, 2, pl.ds(n0, PTS_W)], w2v)
    lanes = lax.iota(jnp.int32, SC_L)

    def chunk_body(t, _):
        @plsc.parallel_loop(0, P_CHUNK)
        def _pt(pp):
            pvec = jnp.full((SC_L,), t * P_CHUNK + pp, jnp.int32)
            r0 = plsc.load_gather(i0v, [pvec])
            r1 = plsc.load_gather(i1v, [pvec])
            r2 = plsc.load_gather(i2v, [pvec])
            w0 = plsc.load_gather(w0v, [pvec])
            w1 = plsc.load_gather(w1v, [pvec])
            w2 = plsc.load_gather(w2v, [pvec])
            w0b = plsc.pack(w0, w0, format=plsc.PackFormat.INTERLEAVED)
            w1b = plsc.pack(w1, w1, format=plsc.PackFormat.INTERLEAVED)
            w2b = plsc.pack(w2, w2, format=plsc.PackFormat.INTERLEAVED)
            for j in range(CW // SC_L):
                col = lanes + (j * SC_L)
                a0 = plsc.bitcast(plsc.load_gather(f1v, [r0, col]),
                                  jnp.bfloat16)
                a1 = plsc.bitcast(plsc.load_gather(f1v, [r1, col]),
                                  jnp.bfloat16)
                a2 = plsc.bitcast(plsc.load_gather(f1v, [r2, col]),
                                  jnp.bfloat16)
                zbuf[pp, pl.ds(j * SC_L, SC_L)] = plsc.bitcast(
                    a0 * w0b + a1 * w1b + a2 * w2b, jnp.int32)

        pltpu.sync_copy(zbuf, z_hbm.at[pl.ds(wid * PTS_W + t * P_CHUNK,
                                             P_CHUNK)])
        return 0

    lax.fori_loop(0, N_CHUNKS, chunk_body, 0)


def _sc_interp(f1_packed, idx, w):
    mesh = plsc.VectorSubcoreMesh(core_axis_name="c", subcore_axis_name="s")
    run = functools.partial(
        pl.kernel,
        out_type=jax.ShapeDtypeStruct((B * N, CW), jnp.int32),
        mesh=mesh,
        compiler_params=pltpu.CompilerParams(needs_layout_passes=False),
        scratch_types=[
            pltpu.VMEM((G, CW), jnp.int32),
            pltpu.VMEM((PTS_W,), jnp.int32),
            pltpu.VMEM((PTS_W,), jnp.int32),
            pltpu.VMEM((PTS_W,), jnp.int32),
            pltpu.VMEM((PTS_W,), jnp.float32),
            pltpu.VMEM((PTS_W,), jnp.float32),
            pltpu.VMEM((PTS_W,), jnp.float32),
            pltpu.VMEM((P_CHUNK, CW), jnp.int32),
        ],
    )(_sc_body)
    return run(f1_packed, idx, w)


def _bn1_coeffs(s1, ss1, g1, be1):
    mean = s1 * (1.0 / TOT)
    var = ss1 * (1.0 / TOT) - mean * mean
    a1 = g1 * lax.rsqrt(var + 1e-5)
    c1 = be1 - mean * a1
    return a1, c1


def _k2_body(z, s1, ss1, g1, be1, hm, hs):
    i = pl.program_id(0)
    a1, c1 = _bn1_coeffs(s1[...], ss1[...], g1[...], be1[...])
    x = jnp.maximum(_unpack_bf16_pairs(z[...]) * a1 + c1, 0.0)
    hm_blk = lax.dot_general(x, x, (((0,), (0,)), ((), ())),
                             preferred_element_type=jnp.float32)
    hs_blk = jnp.sum(x, axis=0, keepdims=True)

    @pl.when(i == 0)
    def _():
        hm[...] = hm_blk
        hs[...] = hs_blk

    @pl.when(i != 0)
    def _():
        hm[...] += hm_blk
        hs[...] += hs_blk


def _k2(z, s1, ss1, g1r, be1r):
    vec = pl.BlockSpec((1, C), lambda i: (0, 0))
    return pl.pallas_call(
        _k2_body,
        grid=((B * N) // NB2_BLK,),
        in_specs=[pl.BlockSpec((NB2_BLK, CW), lambda i: (i, 0)),
                  vec, vec, vec, vec],
        out_specs=[pl.BlockSpec((C, C), lambda i: (0, 0)),
                   pl.BlockSpec((1, C), lambda i: (0, 0))],
        out_shape=[jax.ShapeDtypeStruct((C, C), jnp.float32),
                   jax.ShapeDtypeStruct((1, C), jnp.float32)],
        compiler_params=pltpu.CompilerParams(
            dimension_semantics=("arbitrary",)),
    )(z, s1, ss1, g1r, be1r)


def _kst_body(hm, hs, w2t, b2, g2, be2, a2_out, c2_out):
    sy0 = jnp.dot(hs[...], w2t[...], preferred_element_type=jnp.float32)
    t2 = jnp.dot(hm[...], w2t[...], preferred_element_type=jnp.float32)
    diag = jnp.sum(w2t[...] * t2, axis=0, keepdims=True)
    b2v = b2[...]
    sum_y = sy0 + TOT * b2v
    ssq_y = diag + 2.0 * b2v * sy0 + TOT * b2v * b2v
    mean = sum_y * (1.0 / TOT)
    var = ssq_y * (1.0 / TOT) - mean * mean
    a2 = g2[...] * lax.rsqrt(var + 1e-5)
    c2_out[...] = be2[...] - mean * a2
    a2_out[...] = a2


def _kst(hm, hs, w2t, b2r, g2r, be2r):
    vec = pl.BlockSpec((1, C), lambda: (0, 0))
    mat = pl.BlockSpec((C, C), lambda: (0, 0))
    return pl.pallas_call(
        _kst_body,
        in_specs=[mat, vec, mat, vec, vec, vec],
        out_specs=[vec, vec],
        out_shape=[jax.ShapeDtypeStruct((1, C), jnp.float32),
                   jax.ShapeDtypeStruct((1, C), jnp.float32)],
    )(hm, hs, w2t, b2r, g2r, be2r)


def _k3_body(z, s1, ss1, g1, be1, w2t, b2, a2, c2, out):
    a1, c1 = _bn1_coeffs(s1[...], ss1[...], g1[...], be1[...])
    x = jnp.maximum(_unpack_bf16_pairs(z[...]) * a1 + c1, 0.0)
    y = jnp.dot(x, w2t[...], preferred_element_type=jnp.float32) + b2[...]
    out[...] = jnp.maximum(y * a2[...] + c2[...], 0.0)


def _k3(z, s1, ss1, g1r, be1r, w2t, b2r, a2, c2):
    vec = pl.BlockSpec((1, C), lambda i: (0, 0))
    return pl.pallas_call(
        _k3_body,
        grid=((B * N) // NB2_BLK,),
        in_specs=[pl.BlockSpec((NB2_BLK, CW), lambda i: (i, 0)),
                  vec, vec, vec, vec,
                  pl.BlockSpec((C, C), lambda i: (0, 0)),
                  vec, vec, vec],
        out_specs=pl.BlockSpec((NB2_BLK, C), lambda i: (i, 0)),
        out_shape=jax.ShapeDtypeStruct((B * N, C), jnp.float32),
        compiler_params=pltpu.CompilerParams(
            dimension_semantics=("arbitrary",)),
    )(z, s1, ss1, g1r, be1r, w2t, b2r, a2, c2)


def kernel(xyz, centers, H4, H8, H12, W1, b1, g1, be1, W2, b2, g2, be2):
    w1a = W1[:, :D]
    w1b = W1[:, D:2 * D]
    w1c = W1[:, 2 * D:]
    w2t = W2.T
    b1r = b1.reshape(1, C)
    g1r = g1.reshape(1, C)
    be1r = be1.reshape(1, C)
    b2r = b2.reshape(1, C)
    g2r = g2.reshape(1, C)
    be2r = be2.reshape(1, C)

    f1, f1p = _k1a(H4.reshape(B * G, D), H8.reshape(B * G, D),
                   H12.reshape(B * G, D), w1a, w1b, w1c, b1r)
    idx, w, m = _k1b(xyz, centers)
    s1, ss1 = _k1c(m, f1.reshape(B, G, C))
    z = _sc_interp(f1p, idx, w)
    hm, hs = _k2(z, s1, ss1, g1r, be1r)
    a2, c2 = _kst(hm, hs, w2t, b2r, g2r, be2r)
    out = _k3(z, s1, ss1, g1r, be1r, w2t, b2r, a2, c2)
    return out.reshape(B, N, C)

# --- scband reference (transcript-rebuilt; emitter-appended) ---
"""Pipeline reference for scband-part-segmentation-emb-head-18949395710667 (READ-ONLY COPY).

The authoritative reference and input builder live on the scoring server;
editing this copy changes nothing except your own understanding.
"""

import jax, jax.numpy as jnp
import numpy as np

B, N, G, D = 16, 2048, 128, 512
C_IN = 3 * D

def setup_inputs(seed: int = 0):
    key = jax.random.key(seed)
    ks = jax.random.split(key, 8)
    return {
        "xyz": jax.random.normal(ks[0], (B, N, 3), jnp.float32),
        "centers": jax.random.normal(ks[1], (B, G, 3), jnp.float32),
        "H4": jax.random.normal(ks[2], (B, G, D), jnp.float32),
        "H8": jax.random.normal(ks[3], (B, G, D), jnp.float32),
        "H12": jax.random.normal(ks[4], (B, G, D), jnp.float32),
        "W1": jax.random.normal(ks[5], (512, C_IN), jnp.float32) * (1.0 / np.sqrt(C_IN)),
        "b1": jnp.zeros((512,), jnp.float32),
        "g1": jnp.ones((512,), jnp.float32),
        "be1": jnp.zeros((512,), jnp.float32),
        "W2": jax.random.normal(ks[6], (512, 512), jnp.float32) * (1.0 / np.sqrt(512)),
        "b2": jnp.zeros((512,), jnp.float32),
        "g2": jnp.ones((512,), jnp.float32),
        "be2": jnp.zeros((512,), jnp.float32),
    }

def reference(xyz, centers, H4, H8, H12, W1, b1, g1, be1, W2, b2, g2, be2):
    # fuse the three hierarchy features: [B, G, 3*D]
    fused = jnp.concatenate([H4, H8, H12], axis=-1)
    # squared pairwise distances between all points and group centers: [B, N, G]
    d = (jnp.sum(xyz ** 2, axis=-1, keepdims=True)
         - 2.0 * jnp.einsum('bnc,bsc->bns', xyz, centers)
         + jnp.sum(centers ** 2, axis=-1)[:, None, :])
    # 3 nearest centers per point (PointNet++ feature propagation)
    neg, idx = jax.lax.top_k(-d, 3)
    d3 = -neg
    recip = 1.0 / (d3 + 1e-8)
    w = recip / jnp.sum(recip, axis=-1, keepdims=True)
    bidx = jnp.arange(xyz.shape[0])[:, None, None]
    gathered = fused[bidx, idx]                      # [B, N, 3, 3*D]
    interp = jnp.sum(gathered * w[..., None], axis=2)  # [B, N, 3*D]
    # Conv1d(k=1) + BatchNorm1d (train-mode batch stats) + ReLU, twice
    x = jnp.einsum('oc,bnc->bon', W1, interp) + b1[None, :, None]  # [B, 512, N]
    mu = jnp.mean(x, axis=(0, 2), keepdims=True)
    var = jnp.var(x, axis=(0, 2), keepdims=True)
    x = (x - mu) / jnp.sqrt(var + 1e-5)
    x = g1[None, :, None] * x + be1[None, :, None]
    x = jax.nn.relu(x)
    y = jnp.einsum('oc,bcn->bon', W2, x) + b2[None, :, None]
    mu2 = jnp.mean(y, axis=(0, 2), keepdims=True)
    var2 = jnp.var(y, axis=(0, 2), keepdims=True)
    y = (y - mu2) / jnp.sqrt(var2 + 1e-5)
    y = g2[None, :, None] * y + be2[None, :, None]
    y = jax.nn.relu(y)
    return jnp.transpose(y, (0, 2, 1))  # [B, N, 512]

if __name__ == "__main__":
    import jax
    _d = setup_inputs()
    print(jax.jit(kernel)(*tuple(_d.values())))

</pallas_src>

<mosaic_0001>
#map = affine_map<(d0, d1) -> (0, 0)>
#map1 = affine_map<(d0, d1) -> (0, 0, 0)>
module attributes {stable_mosaic.version = 14 : i64} {
  func.func @_sc_body(%arg0: i32, %arg1: i32, %arg2: memref<2048x256xi32, #tpu.memory_space<hbm>>, %arg3: memref<16x8x2048xi32, #tpu.memory_space<hbm>>, %arg4: memref<16x8x2048xf32, #tpu.memory_space<hbm>>, %arg5: memref<32768x256xi32, #tpu.memory_space<hbm>>, %arg6: memref<128x256xi32, #tpu.memory_space<vmem>>, %arg7: memref<1024xi32, #tpu.memory_space<vmem>>, %arg8: memref<1024xi32, #tpu.memory_space<vmem>>, %arg9: memref<1024xi32, #tpu.memory_space<vmem>>, %arg10: memref<1024xf32, #tpu.memory_space<vmem>>, %arg11: memref<1024xf32, #tpu.memory_space<vmem>>, %arg12: memref<1024xf32, #tpu.memory_space<vmem>>, %arg13: memref<32x256xi32, #tpu.memory_space<vmem>>) attributes {dimension_semantics = [#tpu.dimension_semantics<core_parallel>, #tpu.dimension_semantics<subcore_parallel>], iteration_bounds = array<i64: 2, 16>, scalar_prefetch = 0 : i64, scratch_operands = 8 : i64, tpu.core_type = #tpu.core_type<sc_vector_subcore>, window_params = [{transform_indices = #map}, {transform_indices = #map1}, {transform_indices = #map1}, {transform_indices = #map}]} {
    %mul3A = arith.constant 16 : i32
    %mul3A_0 = arith.muli %arg0, %mul3A : i32
    %add3A = arith.addi %mul3A_0, %arg1 : i32
    %jit3A = arith.constant 2 : i32
    %div3A = arith.divsi %add3A, %jit3A : i32
    %sign3A = arith.constant 0 : i32
    %sign3A_1 = arith.cmpi sgt, %add3A, %sign3A : i32
    %sign3A_2 = arith.extui %sign3A_1 : i1 to i32
    %sign3A_3 = arith.constant 0 : i32
    %sign3A_4 = arith.cmpi slt, %add3A, %sign3A_3 : i32
    %sign3A_5 = arith.extui %sign3A_4 : i1 to i32
    %sign3A_6 = arith.subi %sign3A_2, %sign3A_5 : i32
    %sign3A_7 = arith.constant 0 : i32
    %sign3A_8 = arith.cmpi sgt, %jit3A, %sign3A_7 : i32
    %sign3A_9 = arith.extui %sign3A_8 : i1 to i32
    %sign3A_10 = arith.constant 0 : i32
    %sign3A_11 = arith.cmpi slt, %jit3A, %sign3A_10 : i32
    %sign3A_12 = arith.extui %sign3A_11 : i1 to i32
    %sign3A_13 = arith.subi %sign3A_9, %sign3A_12 : i32
    %ne3A = arith.cmpi ne, %sign3A_6, %sign3A_13 : i32
    %rem3A = arith.remsi %add3A, %jit3A : i32
    %ne3A_14 = arith.constant 0 : i32
    %ne3A_15 = arith.cmpi ne, %rem3A, %ne3A_14 : i32
    %and3A = arith.andi %ne3A, %ne3A_15 : i1
    %sub3A = arith.constant 1 : i32
    %sub3A_16 = arith.subi %div3A, %sub3A : i32
    %select_n3A = arith.select %and3A, %sub3A_16, %div3A : i32
    %jit3A_17 = arith.constant 2 : i32
    %eq3A = arith.constant 0 : i32
    %eq3A_18 = arith.cmpi eq, %jit3A_17, %eq3A : i32
    %jit3A_19 = arith.constant 1 : i32
    %select_n3A_20 = arith.select %eq3A_18, %jit3A_19, %jit3A_17 : i32
    %rem3A_21 = arith.remsi %add3A, %select_n3A_20 : i32
    %ne3A_22 = arith.constant 0 : i32
    %ne3A_23 = arith.cmpi ne, %rem3A_21, %ne3A_22 : i32
    %lt3A = arith.constant 0 : i32
    %lt3A_24 = arith.cmpi slt, %rem3A_21, %lt3A : i32
    %lt3A_25 = arith.constant 0 : i32
    %lt3A_26 = arith.cmpi slt, %select_n3A_20, %lt3A_25 : i32
    %ne3A_27 = arith.xori %lt3A_24, %lt3A_26 : i1
    %and3A_28 = arith.andi %ne3A_27, %ne3A_23 : i1
    %add3A_29 = arith.addi %rem3A_21, %select_n3A_20 : i32
    %select_n3A_30 = arith.select %and3A_28, %add3A_29, %rem3A_21 : i32
    %mul3A_31 = arith.constant 1024 : i32
    %mul3A_32 = arith.muli %select_n3A_30, %mul3A_31 : i32
    %mul3A_33 = arith.constant 128 : i32
    %mul3A_34 = arith.muli %select_n3A, %mul3A_33 : i32
    "tpu.region"() ({
      %run_scoped3A_46 = tpu.sem_alloc : memref<!tpu.dma_semaphore, #tpu.memory_space<semaphore_mem>>
      %dma_start3A = arith.constant 0 : i32
      %dma_start3A_47 = tpu.memref_slice %arg2[%mul3A_34, %dma_start3A] : memref<2048x256xi32, #tpu.memory_space<hbm>> -> memref<128x256xi32, #tpu.memory_space<hbm>>
      %dma_start3A_48 = arith.constant 0 : i32
      %dma_start3A_49 = tpu.memref_slice %arg2[%mul3A_34, %dma_start3A_48] : memref<2048x256xi32, #tpu.memory_space<hbm>> -> memref<128x256xi32, #tpu.memory_space<hbm>>
      tpu.enqueue_dma source(%dma_start3A_49 : memref<128x256xi32, #tpu.memory_space<hbm>>) target(%arg6 : memref<128x256xi32, #tpu.memory_space<vmem>>) target_semaphore(%run_scoped3A_46 : memref<!tpu.dma_semaphore, #tpu.memory_space<semaphore_mem>>)
      %dma_wait3A = arith.constant 0 : i32
      %dma_wait3A_50 = tpu.memref_slice %arg2[%mul3A_34, %dma_wait3A] : memref<2048x256xi32, #tpu.memory_space<hbm>> -> memref<128x256xi32, #tpu.memory_space<hbm>>
      %dma_wait3A_51 = arith.constant 0 : i32
      %dma_wait3A_52 = tpu.memref_slice %arg2[%mul3A_34, %dma_wait3A_51] : memref<2048x256xi32, #tpu.memory_space<hbm>> -> memref<128x256xi32, #tpu.memory_space<hbm>>
      tpu.wait_dma2 semaphore(%run_scoped3A_46 : memref<!tpu.dma_semaphore, #tpu.memory_space<semaphore_mem>>) src(%dma_wait3A_52 : memref<128x256xi32, #tpu.memory_space<hbm>>) dst(%arg6 : memref<128x256xi32, #tpu.memory_space<vmem>>)
      tpu.yield
    }) : () -> ()
    %run_scoped3A = arith.constant 0 : i32
    "tpu.region"() ({
      %run_scoped3A_46 = tpu.sem_alloc : memref<!tpu.dma_semaphore, #tpu.memory_space<semaphore_mem>>
      %dma_start3A = tpu.memref_slice %arg3[%select_n3A, %run_scoped3A, %mul3A_32] : memref<16x8x2048xi32, #tpu.memory_space<hbm>> -> memref<1x1x1024xi32, #tpu.memory_space<hbm>>
      %dma_start3A_47 = tpu.memref_squeeze %dma_start3A : memref<1x1x1024xi32, #tpu.memory_space<hbm>> -> memref<1024xi32, #tpu.memory_space<hbm>>
      %dma_start3A_48 = tpu.memref_slice %arg3[%select_n3A, %run_scoped3A, %mul3A_32] : memref<16x8x2048xi32, #tpu.memory_space<hbm>> -> memref<1x1x1024xi32, #tpu.memory_space<hbm>>
      %dma_start3A_49 = tpu.memref_squeeze %dma_start3A_48 : memref<1x1x1024xi32, #tpu.memory_space<hbm>> -> memref<1024xi32, #tpu.memory_space<hbm>>
      tpu.enqueue_dma source(%dma_start3A_49 : memref<1024xi32, #tpu.memory_space<hbm>>) target(%arg7 : memref<1024xi32, #tpu.memory_space<vmem>>) target_semaphore(%run_scoped3A_46 : memref<!tpu.dma_semaphore, #tpu.memory_space<semaphore_mem>>)
      %dma_wait3A = tpu.memref_slice %arg3[%select_n3A, %run_scoped3A, %mul3A_32] : memref<16x8x2048xi32, #tpu.memory_space<hbm>> -> memref<1x1x1024xi32, #tpu.memory_space<hbm>>
      %dma_wait3A_50 = tpu.memref_squeeze %dma_wait3A : memref<1x1x1024xi32, #tpu.memory_space<hbm>> -> memref<1024xi32, #tpu.memory_space<hbm>>
      %dma_wait3A_51 = tpu.memref_slice %arg3[%select_n3A, %run_scoped3A, %mul3A_32] : memref<16x8x2048xi32, #tpu.memory_space<hbm>> -> memref<1x1x1024xi32, #tpu.memory_space<hbm>>
      %dma_wait3A_52 = tpu.memref_squeeze %dma_wait3A_51 : memref<1x1x1024xi32, #tpu.memory_space<hbm>> -> memref<1024xi32, #tpu.memory_space<hbm>>
      tpu.wait_dma2 semaphore(%run_scoped3A_46 : memref<!tpu.dma_semaphore, #tpu.memory_space<semaphore_mem>>) src(%dma_wait3A_52 : memref<1024xi32, #tpu.memory_space<hbm>>) dst(%arg7 : memref<1024xi32, #tpu.memory_space<vmem>>)
      tpu.yield
    }) : () -> ()
    %run_scoped3A_35 = arith.constant 1 : i32
    "tpu.region"() ({
      %run_scoped3A_46 = tpu.sem_alloc : memref<!tpu.dma_semaphore, #tpu.memory_space<semaphore_mem>>
      %dma_start3A = tpu.memref_slice %arg3[%select_n3A, %run_scoped3A_35, %mul3A_32] : memref<16x8x2048xi32, #tpu.memory_space<hbm>> -> memref<1x1x1024xi32, #tpu.memory_space<hbm>>
      %dma_start3A_47 = tpu.memref_squeeze %dma_start3A : memref<1x1x1024xi32, #tpu.memory_space<hbm>> -> memref<1024xi32, #tpu.memory_space<hbm>>
      %dma_start3A_48 = tpu.memref_slice %arg3[%select_n3A, %run_scoped3A_35, %mul3A_32] : memref<16x8x2048xi32, #tpu.memory_space<hbm>> -> memref<1x1x1024xi32, #tpu.memory_space<hbm>>
      %dma_start3A_49 = tpu.memref_squeeze %dma_start3A_48 : memref<1x1x1024xi32, #tpu.memory_space<hbm>> -> memref<1024xi32, #tpu.memory_space<hbm>>
      tpu.enqueue_dma source(%dma_start3A_49 : memref<1024xi32, #tpu.memory_space<hbm>>) target(%arg8 : memref<1024xi32, #tpu.memory_space<vmem>>) target_semaphore(%run_scoped3A_46 : memref<!tpu.dma_semaphore, #tpu.memory_space<semaphore_mem>>)
      %dma_wait3A = tpu.memref_slice %arg3[%select_n3A, %run_scoped3A_35, %mul3A_32] : memref<16x8x2048xi32, #tpu.memory_space<hbm>> -> memref<1x1x1024xi32, #tpu.memory_space<hbm>>
      %dma_wait3A_50 = tpu.memref_squeeze %dma_wait3A : memref<1x1x1024xi32, #tpu.memory_space<hbm>> -> memref<1024xi32, #tpu.memory_space<hbm>>
      %dma_wait3A_51 = tpu.memref_slice %arg3[%select_n3A, %run_scoped3A_35, %mul3A_32] : memref<16x8x2048xi32, #tpu.memory_space<hbm>> -> memref<1x1x1024xi32, #tpu.memory_space<hbm>>
      %dma_wait3A_52 = tpu.memref_squeeze %dma_wait3A_51 : memref<1x1x1024xi32, #tpu.memory_space<hbm>> -> memref<1024xi32, #tpu.memory_space<hbm>>
      tpu.wait_dma2 semaphore(%run_scoped3A_46 : memref<!tpu.dma_semaphore, #tpu.memory_space<semaphore_mem>>) src(%dma_wait3A_52 : memref<1024xi32, #tpu.memory_space<hbm>>) dst(%arg8 : memref<1024xi32, #tpu.memory_space<vmem>>)
      tpu.yield
    }) : () -> ()
    %run_scoped3A_36 = arith.constant 2 : i32
    "tpu.region"() ({
      %run_scoped3A_46 = tpu.sem_alloc : memref<!tpu.dma_semaphore, #tpu.memory_space<semaphore_mem>>
      %dma_start3A = tpu.memref_slice %arg3[%select_n3A, %run_scoped3A_36, %mul3A_32] : memref<16x8x2048xi32, #tpu.memory_space<hbm>> -> memref<1x1x1024xi32, #tpu.memory_space<hbm>>
      %dma_start3A_47 = tpu.memref_squeeze %dma_start3A : memref<1x1x1024xi32, #tpu.memory_space<hbm>> -> memref<1024xi32, #tpu.memory_space<hbm>>
      %dma_start3A_48 = tpu.memref_slice %arg3[%select_n3A, %run_scoped3A_36, %mul3A_32] : memref<16x8x2048xi32, #tpu.memory_space<hbm>> -> memref<1x1x1024xi32, #tpu.memory_space<hbm>>
      %dma_start3A_49 = tpu.memref_squeeze %dma_start3A_48 : memref<1x1x1024xi32, #tpu.memory_space<hbm>> -> memref<1024xi32, #tpu.memory_space<hbm>>
      tpu.enqueue_dma source(%dma_start3A_49 : memref<1024xi32, #tpu.memory_space<hbm>>) target(%arg9 : memref<1024xi32, #tpu.memory_space<vmem>>) target_semaphore(%run_scoped3A_46 : memref<!tpu.dma_semaphore, #tpu.memory_space<semaphore_mem>>)
      %dma_wait3A = tpu.memref_slice %arg3[%select_n3A, %run_scoped3A_36, %mul3A_32] : memref<16x8x2048xi32, #tpu.memory_space<hbm>> -> memref<1x1x1024xi32, #tpu.memory_space<hbm>>
      %dma_wait3A_50 = tpu.memref_squeeze %dma_wait3A : memref<1x1x1024xi32, #tpu.memory_space<hbm>> -> memref<1024xi32, #tpu.memory_space<hbm>>
      %dma_wait3A_51 = tpu.memref_slice %arg3[%select_n3A, %run_scoped3A_36, %mul3A_32] : memref<16x8x2048xi32, #tpu.memory_space<hbm>> -> memref<1x1x1024xi32, #tpu.memory_space<hbm>>
      %dma_wait3A_52 = tpu.memref_squeeze %dma_wait3A_51 : memref<1x1x1024xi32, #tpu.memory_space<hbm>> -> memref<1024xi32, #tpu.memory_space<hbm>>
      tpu.wait_dma2 semaphore(%run_scoped3A_46 : memref<!tpu.dma_semaphore, #tpu.memory_space<semaphore_mem>>) src(%dma_wait3A_52 : memref<1024xi32, #tpu.memory_space<hbm>>) dst(%arg9 : memref<1024xi32, #tpu.memory_space<vmem>>)
      tpu.yield
    }) : () -> ()
    %run_scoped3A_37 = arith.constant 0 : i32
    "tpu.region"() ({
      %run_scoped3A_46 = tpu.sem_alloc : memref<!tpu.dma_semaphore, #tpu.memory_space<semaphore_mem>>
      %dma_start3A = tpu.memref_slice %arg4[%select_n3A, %run_scoped3A_37, %mul3A_32] : memref<16x8x2048xf32, #tpu.memory_space<hbm>> -> memref<1x1x1024xf32, #tpu.memory_space<hbm>>
      %dma_start3A_47 = tpu.memref_squeeze %dma_start3A : memref<1x1x1024xf32, #tpu.memory_space<hbm>> -> memref<1024xf32, #tpu.memory_space<hbm>>
      %dma_start3A_48 = tpu.memref_slice %arg4[%select_n3A, %run_scoped3A_37, %mul3A_32] : memref<16x8x2048xf32, #tpu.memory_space<hbm>> -> memref<1x1x1024xf32, #tpu.memory_space<hbm>>
      %dma_start3A_49 = tpu.memref_squeeze %dma_start3A_48 : memref<1x1x1024xf32, #tpu.memory_space<hbm>> -> memref<1024xf32, #tpu.memory_space<hbm>>
      tpu.enqueue_dma source(%dma_start3A_49 : memref<1024xf32, #tpu.memory_space<hbm>>) target(%arg10 : memref<1024xf32, #tpu.memory_space<vmem>>) target_semaphore(%run_scoped3A_46 : memref<!tpu.dma_semaphore, #tpu.memory_space<semaphore_mem>>)
      %dma_wait3A = tpu.memref_slice %arg4[%select_n3A, %run_scoped3A_37, %mul3A_32] : memref<16x8x2048xf32, #tpu.memory_space<hbm>> -> memref<1x1x1024xf32, #tpu.memory_space<hbm>>
      %dma_wait3A_50 = tpu.memref_squeeze %dma_wait3A : memref<1x1x1024xf32, #tpu.memory_space<hbm>> -> memref<1024xf32, #tpu.memory_space<hbm>>
      %dma_wait3A_51 = tpu.memref_slice %arg4[%select_n3A, %run_scoped3A_37, %mul3A_32] : memref<16x8x2048xf32, #tpu.memory_space<hbm>> -> memref<1x1x1024xf32, #tpu.memory_space<hbm>>
      %dma_wait3A_52 = tpu.memref_squeeze %dma_wait3A_51 : memref<1x1x1024xf32, #tpu.memory_space<hbm>> -> memref<1024xf32, #tpu.memory_space<hbm>>
      tpu.wait_dma2 semaphore(%run_scoped3A_46 : memref<!tpu.dma_semaphore, #tpu.memory_space<semaphore_mem>>) src(%dma_wait3A_52 : memref<1024xf32, #tpu.memory_space<hbm>>) dst(%arg10 : memref<1024xf32, #tpu.memory_space<vmem>>)
      tpu.yield
    }) : () -> ()
    %run_scoped3A_38 = arith.constant 1 : i32
    "tpu.region"() ({
      %run_scoped3A_46 = tpu.sem_alloc : memref<!tpu.dma_semaphore, #tpu.memory_space<semaphore_mem>>
      %dma_start3A = tpu.memref_slice %arg4[%select_n3A, %run_scoped3A_38, %mul3A_32] : memref<16x8x2048xf32, #tpu.memory_space<hbm>> -> memref<1x1x1024xf32, #tpu.memory_space<hbm>>
      %dma_start3A_47 = tpu.memref_squeeze %dma_start3A : memref<1x1x1024xf32, #tpu.memory_space<hbm>> -> memref<1024xf32, #tpu.memory_space<hbm>>
      %dma_start3A_48 = tpu.memref_slice %arg4[%select_n3A, %run_scoped3A_38, %mul3A_32] : memref<16x8x2048xf32, #tpu.memory_space<hbm>> -> memref<1x1x1024xf32, #tpu.memory_space<hbm>>
      %dma_start3A_49 = tpu.memref_squeeze %dma_start3A_48 : memref<1x1x1024xf32, #tpu.memory_space<hbm>> -> memref<1024xf32, #tpu.memory_space<hbm>>
      tpu.enqueue_dma source(%dma_start3A_49 : memref<1024xf32, #tpu.memory_space<hbm>>) target(%arg11 : memref<1024xf32, #tpu.memory_space<vmem>>) target_semaphore(%run_scoped3A_46 : memref<!tpu.dma_semaphore, #tpu.memory_space<semaphore_mem>>)
      %dma_wait3A = tpu.memref_slice %arg4[%select_n3A, %run_scoped3A_38, %mul3A_32] : memref<16x8x2048xf32, #tpu.memory_space<hbm>> -> memref<1x1x1024xf32, #tpu.memory_space<hbm>>
      %dma_wait3A_50 = tpu.memref_squeeze %dma_wait3A : memref<1x1x1024xf32, #tpu.memory_space<hbm>> -> memref<1024xf32, #tpu.memory_space<hbm>>
      %dma_wait3A_51 = tpu.memref_slice %arg4[%select_n3A, %run_scoped3A_38, %mul3A_32] : memref<16x8x2048xf32, #tpu.memory_space<hbm>> -> memref<1x1x1024xf32, #tpu.memory_space<hbm>>
      %dma_wait3A_52 = tpu.memref_squeeze %dma_wait3A_51 : memref<1x1x1024xf32, #tpu.memory_space<hbm>> -> memref<1024xf32, #tpu.memory_space<hbm>>
      tpu.wait_dma2 semaphore(%run_scoped3A_46 : memref<!tpu.dma_semaphore, #tpu.memory_space<semaphore_mem>>) src(%dma_wait3A_52 : memref<1024xf32, #tpu.memory_space<hbm>>) dst(%arg11 : memref<1024xf32, #tpu.memory_space<vmem>>)
      tpu.yield
    }) : () -> ()
    %run_scoped3A_39 = arith.constant 2 : i32
    "tpu.region"() ({
      %run_scoped3A_46 = tpu.sem_alloc : memref<!tpu.dma_semaphore, #tpu.memory_space<semaphore_mem>>
      %dma_start3A = tpu.memref_slice %arg4[%select_n3A, %run_scoped3A_39, %mul3A_32] : memref<16x8x2048xf32, #tpu.memory_space<hbm>> -> memref<1x1x1024xf32, #tpu.memory_space<hbm>>
      %dma_start3A_47 = tpu.memref_squeeze %dma_start3A : memref<1x1x1024xf32, #tpu.memory_space<hbm>> -> memref<1024xf32, #tpu.memory_space<hbm>>
      %dma_start3A_48 = tpu.memref_slice %arg4[%select_n3A, %run_scoped3A_39, %mul3A_32] : memref<16x8x2048xf32, #tpu.memory_space<hbm>> -> memref<1x1x1024xf32, #tpu.memory_space<hbm>>
      %dma_start3A_49 = tpu.memref_squeeze %dma_start3A_48 : memref<1x1x1024xf32, #tpu.memory_space<hbm>> -> memref<1024xf32, #tpu.memory_space<hbm>>
      tpu.enqueue_dma source(%dma_start3A_49 : memref<1024xf32, #tpu.memory_space<hbm>>) target(%arg12 : memref<1024xf32, #tpu.memory_space<vmem>>) target_semaphore(%run_scoped3A_46 : memref<!tpu.dma_semaphore, #tpu.memory_space<semaphore_mem>>)
      %dma_wait3A = tpu.memref_slice %arg4[%select_n3A, %run_scoped3A_39, %mul3A_32] : memref<16x8x2048xf32, #tpu.memory_space<hbm>> -> memref<1x1x1024xf32, #tpu.memory_space<hbm>>
      %dma_wait3A_50 = tpu.memref_squeeze %dma_wait3A : memref<1x1x1024xf32, #tpu.memory_space<hbm>> -> memref<1024xf32, #tpu.memory_space<hbm>>
      %dma_wait3A_51 = tpu.memref_slice %arg4[%select_n3A, %run_scoped3A_39, %mul3A_32] : memref<16x8x2048xf32, #tpu.memory_space<hbm>> -> memref<1x1x1024xf32, #tpu.memory_space<hbm>>
      %dma_wait3A_52 = tpu.memref_squeeze %dma_wait3A_51 : memref<1x1x1024xf32, #tpu.memory_space<hbm>> -> memref<1024xf32, #tpu.memory_space<hbm>>
      tpu.wait_dma2 semaphore(%run_scoped3A_46 : memref<!tpu.dma_semaphore, #tpu.memory_space<semaphore_mem>>) src(%dma_wait3A_52 : memref<1024xf32, #tpu.memory_space<hbm>>) dst(%arg12 : memref<1024xf32, #tpu.memory_space<vmem>>)
      tpu.yield
    }) : () -> ()
    %iota3A = tpu.iota {dimensions = array<i32: 0>} : vector<16xi32>
    %scan3A = arith.constant 0 : i32
    %scan3A_40 = arith.constant 0 : i32
    %scan3A_41 = arith.constant 32 : i32
    %scan3A_42 = arith.addi %scan3A_40, %scan3A_41 : i32
    %scan3A_43 = arith.constant 1 : i32
    %scan3A_44 = scf.for %scan3A_46 = %scan3A_40 to %scan3A_42 step %scan3A_43 iter_args(%scan3A_47 = %scan3A) -> (i32)  : i32 {
      %parallel_loop3A = arith.constant 0 : i32
      %parallel_loop3A_48 = arith.constant 32 : i32
      %parallel_loop3A_49 = arith.constant 1 : i32
      scf.for %parallel_loop3A_56 = %parallel_loop3A to %parallel_loop3A_48 step %parallel_loop3A_49  : i32 {
        %parallel_loop3A_57 = arith.constant 32 : i32
        %parallel_loop3A_58 = arith.muli %scan3A_46, %parallel_loop3A_57 : i32
        %parallel_loop3A_59 = arith.addi %parallel_loop3A_58, %parallel_loop3A_56 : i32
        %parallel_loop3A_60 = vector.broadcast %parallel_loop3A_59 : i32 to vector<16xi32>
        %parallel_loop3A_61 = tpu.vector_load_idx %arg7[%parallel_loop3A_60] : memref<1024xi32, #tpu.memory_space<vmem>>[vector<16xi32>], vector<16xi32>,
        %parallel_loop3A_62 = tpu.vector_load_idx %arg8[%parallel_loop3A_60] : memref<1024xi32, #tpu.memory_space<vmem>>[vector<16xi32>], vector<16xi32>,
        %parallel_loop3A_63 = tpu.vector_load_idx %arg9[%parallel_loop3A_60] : memref<1024xi32, #tpu.memory_space<vmem>>[vector<16xi32>], vector<16xi32>,
        %parallel_loop3A_64 = tpu.vector_load_idx %arg10[%parallel_loop3A_60] : memref<1024xf32, #tpu.memory_space<vmem>>[vector<16xi32>], vector<16xf32>,
        %parallel_loop3A_65 = tpu.vector_load_idx %arg11[%parallel_loop3A_60] : memref<1024xf32, #tpu.memory_space<vmem>>[vector<16xi32>], vector<16xf32>,
        %parallel_loop3A_66 = tpu.vector_load_idx %arg12[%parallel_loop3A_60] : memref<1024xf32, #tpu.memory_space<vmem>>[vector<16xi32>], vector<16xf32>,
        %parallel_loop3A_67 = tpu.pack_subelements %parallel_loop3A_64, %parallel_loop3A_64 {pack_format = #tpu.pack_format<interleaved>, positions = array<i32: 0, 1>} : vector<16xf32>, vector<16xf32> -> vector<32xbf16>
        %parallel_loop3A_68 = tpu.pack_subelements %parallel_loop3A_65, %parallel_loop3A_65 {pack_format = #tpu.pack_format<interleaved>, positions = array<i32: 0, 1>} : vector<16xf32>, vector<16xf32> -> vector<32xbf16>
        %parallel_loop3A_69 = tpu.pack_subelements %parallel_loop3A_66, %parallel_loop3A_66 {pack_format = #tpu.pack_format<interleaved>, positions = array<i32: 0, 1>} : vector<16xf32>, vector<16xf32> -> vector<32xbf16>
        %parallel_loop3A_70 = arith.constant 0 : i32
        %parallel_loop3A_71 = vector.broadcast %parallel_loop3A_70 : i32 to vector<16xi32>
        %parallel_loop3A_72 = arith.addi %iota3A, %parallel_loop3A_71 : vector<16xi32>
        %parallel_loop3A_73 = tpu.vector_load_idx %arg6[%parallel_loop3A_61, %parallel_loop3A_72] : memref<128x256xi32, #tpu.memory_space<vmem>>[vector<16xi32>, vector<16xi32>], vector<16xi32>,
        %parallel_loop3A_74 = vector.bitcast %parallel_loop3A_73 : vector<16xi32> to vector<32xbf16>
        %parallel_loop3A_75 = tpu.vector_load_idx %arg6[%parallel_loop3A_62, %parallel_loop3A_72] : memref<128x256xi32, #tpu.memory_space<vmem>>[vector<16xi32>, vector<16xi32>], vector<16xi32>,
        %parallel_loop3A_76 = vector.bitcast %parallel_loop3A_75 : vector<16xi32> to vector<32xbf16>
        %parallel_loop3A_77 = tpu.vector_load_idx %arg6[%parallel_loop3A_63, %parallel_loop3A_72] : memref<128x256xi32, #tpu.memory_space<vmem>>[vector<16xi32>, vector<16xi32>], vector<16xi32>,
        %parallel_loop3A_78 = vector.bitcast %parallel_loop3A_77 : vector<16xi32> to vector<32xbf16>
        %parallel_loop3A_79 = arith.mulf %parallel_loop3A_74, %parallel_loop3A_67 : vector<32xbf16>
        %parallel_loop3A_80 = arith.mulf %parallel_loop3A_76, %parallel_loop3A_68 : vector<32xbf16>
        %parallel_loop3A_81 = arith.addf %parallel_loop3A_79, %parallel_loop3A_80 : vector<32xbf16>
        %parallel_loop3A_82 = arith.mulf %parallel_loop3A_78, %parallel_loop3A_69 : vector<32xbf16>
        %parallel_loop3A_83 = arith.addf %parallel_loop3A_81, %parallel_loop3A_82 : vector<32xbf16>
        %parallel_loop3A_84 = vector.bitcast %parallel_loop3A_83 : vector<32xbf16> to vector<16xi32>
        %parallel_loop3A_85 = arith.index_cast %parallel_loop3A_56 : i32 to index
        %parallel_loop3A_86 = arith.constant 0 : index
        %parallel_loop3A_87 = tpu.vector_load %arg13[%parallel_loop3A_85, %parallel_loop3A_86] {strides = array<i32>} : memref<32x256xi32, #tpu.memory_space<vmem>>, vector<16xi32>,
        tpu.vector_store %arg13[%parallel_loop3A_85, %parallel_loop3A_86], %parallel_loop3A_84 {strides = array<i32>} : memref<32x256xi32, #tpu.memory_space<vmem>>, vector<16xi32>,
        %parallel_loop3A_88 = arith.constant 16 : i32
        %parallel_loop3A_89 = vector.broadcast %parallel_loop3A_88 : i32 to vector<16xi32>
        %parallel_loop3A_90 = arith.addi %iota3A, %parallel_loop3A_89 : vector<16xi32>
        %parallel_loop3A_91 = tpu.vector_load_idx %arg6[%parallel_loop3A_61, %parallel_loop3A_90] : memref<128x256xi32, #tpu.memory_space<vmem>>[vector<16xi32>, vector<16xi32>], vector<16xi32>,
        %parallel_loop3A_92 = vector.bitcast %parallel_loop3A_91 : vector<16xi32> to vector<32xbf16>
        %parallel_loop3A_93 = tpu.vector_load_idx %arg6[%parallel_loop3A_62, %parallel_loop3A_90] : memref<128x256xi32, #tpu.memory_space<vmem>>[vector<16xi32>, vector<16xi32>], vector<16xi32>,
        %parallel_loop3A_94 = vector.bitcast %parallel_loop3A_93 : vector<16xi32> to vector<32xbf16>
        %parallel_loop3A_95 = tpu.vector_load_idx %arg6[%parallel_loop3A_63, %parallel_loop3A_90] : memref<128x256xi32, #tpu.memory_space<vmem>>[vector<16xi32>, vector<16xi32>], vector<16xi32>,
        %parallel_loop3A_96 = vector.bitcast %parallel_loop3A_95 : vector<16xi32> to vector<32xbf16>
        %parallel_loop3A_97 = arith.mulf %parallel_loop3A_92, %parallel_loop3A_67 : vector<32xbf16>
        %parallel_loop3A_98 = arith.mulf %parallel_loop3A_94, %parallel_loop3A_68 : vector<32xbf16>
        %parallel_loop3A_99 = arith.addf %parallel_loop3A_97, %parallel_loop3A_98 : vector<32xbf16>
        %parallel_loop3A_100 = arith.mulf %parallel_loop3A_96, %parallel_loop3A_69 : vector<32xbf16>
        %parallel_loop3A_101 = arith.addf %parallel_loop3A_99, %parallel_loop3A_100 : vector<32xbf16>
        %parallel_loop3A_102 = vector.bitcast %parallel_loop3A_101 : vector<32xbf16> to vector<16xi32>
        %parallel_loop3A_103 = arith.index_cast %parallel_loop3A_56 : i32 to index
        %parallel_loop3A_104 = arith.constant 16 : index
        %parallel_loop3A_105 = tpu.vector_load %arg13[%parallel_loop3A_103, %parallel_loop3A_104] {strides = array<i32>} : memref<32x256xi32, #tpu.memory_space<vmem>>, vector<16xi32>,
        tpu.vector_store %arg13[%parallel_loop3A_103, %parallel_loop3A_104], %parallel_loop3A_102 {strides = array<i32>} : memref<32x256xi32, #tpu.memory_space<vmem>>, vector<16xi32>,
        %parallel_loop3A_106 = arith.constant 32 : i32
        %parallel_loop3A_107 = vector.broadcast %parallel_loop3A_106 : i32 to vector<16xi32>
        %parallel_loop3A_108 = arith.addi %iota3A, %parallel_loop3A_107 : vector<16xi32>
        %parallel_loop3A_109 = tpu.vector_load_idx %arg6[%parallel_loop3A_61, %parallel_loop3A_108] : memref<128x256xi32, #tpu.memory_space<vmem>>[vector<16xi32>, vector<16xi32>], vector<16xi32>,
        %parallel_loop3A_110 = vector.bitcast %parallel_loop3A_109 : vector<16xi32> to vector<32xbf16>
        %parallel_loop3A_111 = tpu.vector_load_idx %arg6[%parallel_loop3A_62, %parallel_loop3A_108] : memref<128x256xi32, #tpu.memory_space<vmem>>[vector<16xi32>, vector<16xi32>], vector<16xi32>,
        %parallel_loop3A_112 = vector.bitcast %parallel_loop3A_111 : vector<16xi32> to vector<32xbf16>
        %parallel_loop3A_113 = tpu.vector_load_idx %arg6[%parallel_loop3A_63, %parallel_loop3A_108] : memref<128x256xi32, #tpu.memory_space<vmem>>[vector<16xi32>, vector<16xi32>], vector<16xi32>,
        %parallel_loop3A_114 = vector.bitcast %parallel_loop3A_113 : vector<16xi32> to vector<32xbf16>
        %parallel_loop3A_115 = arith.mulf %parallel_loop3A_110, %parallel_loop3A_67 : vector<32xbf16>
        %parallel_loop3A_116 = arith.mulf %parallel_loop3A_112, %parallel_loop3A_68 : vector<32xbf16>
        %parallel_loop3A_117 = arith.addf %parallel_loop3A_115, %parallel_loop3A_116 : vector<32xbf16>
        %parallel_loop3A_118 = arith.mulf %parallel_loop3A_114, %parallel_loop3A_69 : vector<32xbf16>
        %parallel_loop3A_119 = arith.addf %parallel_loop3A_117, %parallel_loop3A_118 : vector<32xbf16>
        %parallel_loop3A_120 = vector.bitcast %parallel_loop3A_119 : vector<32xbf16> to vector<16xi32>
        %parallel_loop3A_121 = arith.index_cast %parallel_loop3A_56 : i32 to index
        %parallel_loop3A_122 = arith.constant 32 : index
        %parallel_loop3A_123 = tpu.vector_load %arg13[%parallel_loop3A_121, %parallel_loop3A_122] {strides = array<i32>} : memref<32x256xi32, #tpu.memory_space<vmem>>, vector<16xi32>,
        tpu.vector_store %arg13[%parallel_loop3A_121, %parallel_loop3A_122], %parallel_loop3A_120 {strides = array<i32>} : memref<32x256xi32, #tpu.memory_space<vmem>>, vector<16xi32>,
        %parallel_loop3A_124 = arith.constant 48 : i32
        %parallel_loop3A_125 = vector.broadcast %parallel_loop3A_124 : i32 to vector<16xi32>
        %parallel_loop3A_126 = arith.addi %iota3A, %parallel_loop3A_125 : vector<16xi32>
        %parallel_loop3A_127 = tpu.vector_load_idx %arg6[%parallel_loop3A_61, %parallel_loop3A_126] : memref<128x256xi32, #tpu.memory_space<vmem>>[vector<16xi32>, vector<16xi32>], vector<16xi32>,
        %parallel_loop3A_128 = vector.bitcast %parallel_loop3A_127 : vector<16xi32> to vector<32xbf16>
        %parallel_loop3A_129 = tpu.vector_load_idx %arg6[%parallel_loop3A_62, %parallel_loop3A_126] : memref<128x256xi32, #tpu.memory_space<vmem>>[vector<16xi32>, vector<16xi32>], vector<16xi32>,
        %parallel_loop3A_130 = vector.bitcast %parallel_loop3A_129 : vector<16xi32> to vector<32xbf16>
        %parallel_loop3A_131 = tpu.vector_load_idx %arg6[%parallel_loop3A_63, %parallel_loop3A_126] : memref<128x256xi32, #tpu.memory_space<vmem>>[vector<16xi32>, vector<16xi32>], vector<16xi32>,
        %parallel_loop3A_132 = vector.bitcast %parallel_loop3A_131 : vector<16xi32> to vector<32xbf16>
        %parallel_loop3A_133 = arith.mulf %parallel_loop3A_128, %parallel_loop3A_67 : vector<32xbf16>
        %parallel_loop3A_134 = arith.mulf %parallel_loop3A_130, %parallel_loop3A_68 : vector<32xbf16>
        %parallel_loop3A_135 = arith.addf %parallel_loop3A_133, %parallel_loop3A_134 : vector<32xbf16>
        %parallel_loop3A_136 = arith.mulf %parallel_loop3A_132, %parallel_loop3A_69 : vector<32xbf16>
        %parallel_loop3A_137 = arith.addf %parallel_loop3A_135, %parallel_loop3A_136 : vector<32xbf16>
        %parallel_loop3A_138 = vector.bitcast %parallel_loop3A_137 : vector<32xbf16> to vector<16xi32>
        %parallel_loop3A_139 = arith.index_cast %parallel_loop3A_56 : i32 to index
        %parallel_loop3A_140 = arith.constant 48 : index
        %parallel_loop3A_141 = tpu.vector_load %arg13[%parallel_loop3A_139, %parallel_loop3A_140] {strides = array<i32>} : memref<32x256xi32, #tpu.memory_space<vmem>>, vector<16xi32>,
        tpu.vector_store %arg13[%parallel_loop3A_139, %parallel_loop3A_140], %parallel_loop3A_138 {strides = array<i32>} : memref<32x256xi32, #tpu.memory_space<vmem>>, vector<16xi32>,
        %parallel_loop3A_142 = arith.constant 64 : i32
        %parallel_loop3A_143 = vector.broadcast %parallel_loop3A_142 : i32 to vector<16xi32>
        %parallel_loop3A_144 = arith.addi %iota3A, %parallel_loop3A_143 : vector<16xi32>
        %parallel_loop3A_145 = tpu.vector_load_idx %arg6[%parallel_loop3A_61, %parallel_loop3A_144] : memref<128x256xi32, #tpu.memory_space<vmem>>[vector<16xi32>, vector<16xi32>], vector<16xi32>,
        %parallel_loop3A_146 = vector.bitcast %parallel_loop3A_145 : vector<16xi32> to vector<32xbf16>
        %parallel_loop3A_147 = tpu.vector_load_idx %arg6[%parallel_loop3A_62, %parallel_loop3A_144] : memref<128x256xi32, #tpu.memory_space<vmem>>[vector<16xi32>, vector<16xi32>], vector<16xi32>,
        %parallel_loop3A_148 = vector.bitcast %parallel_loop3A_147 : vector<16xi32> to vector<32xbf16>
        %parallel_loop3A_149 = tpu.vector_load_idx %arg6[%parallel_loop3A_63, %parallel_loop3A_144] : memref<128x256xi32, #tpu.memory_space<vmem>>[vector<16xi32>, vector<16xi32>], vector<16xi32>,
        %parallel_loop3A_150 = vector.bitcast %parallel_loop3A_149 : vector<16xi32> to vector<32xbf16>
        %parallel_loop3A_151 = arith.mulf %parallel_loop3A_146, %parallel_loop3A_67 : vector<32xbf16>
        %parallel_loop3A_152 = arith.mulf %parallel_loop3A_148, %parallel_loop3A_68 : vector<32xbf16>
        %parallel_loop3A_153 = arith.addf %parallel_loop3A_151, %parallel_loop3A_152 : vector<32xbf16>
        %parallel_loop3A_154 = arith.mulf %parallel_loop3A_150, %parallel_loop3A_69 : vector<32xbf16>
        %parallel_loop3A_155 = arith.addf %parallel_loop3A_153, %parallel_loop3A_154 : vector<32xbf16>
        %parallel_loop3A_156 = vector.bitcast %parallel_loop3A_155 : vector<32xbf16> to vector<16xi32>
        %parallel_loop3A_157 = arith.index_cast %parallel_loop3A_56 : i32 to index
        %parallel_loop3A_158 = arith.constant 64 : index
        %parallel_loop3A_159 = tpu.vector_load %arg13[%parallel_loop3A_157, %parallel_loop3A_158] {strides = array<i32>} : memref<32x256xi32, #tpu.memory_space<vmem>>, vector<16xi32>,
        tpu.vector_store %arg13[%parallel_loop3A_157, %parallel_loop3A_158], %parallel_loop3A_156 {strides = array<i32>} : memref<32x256xi32, #tpu.memory_space<vmem>>, vector<16xi32>,
        %parallel_loop3A_160 = arith.constant 80 : i32
        %parallel_loop3A_161 = vector.broadcast %parallel_loop3A_160 : i32 to vector<16xi32>
        %parallel_loop3A_162 = arith.addi %iota3A, %parallel_loop3A_161 : vector<16xi32>
        %parallel_loop3A_163 = tpu.vector_load_idx %arg6[%parallel_loop3A_61, %parallel_loop3A_162] : memref<128x256xi32, #tpu.memory_space<vmem>>[vector<16xi32>, vector<16xi32>], vector<16xi32>,
        %parallel_loop3A_164 = vector.bitcast %parallel_loop3A_163 : vector<16xi32> to vector<32xbf16>
        %parallel_loop3A_165 = tpu.vector_load_idx %arg6[%parallel_loop3A_62, %parallel_loop3A_162] : memref<128x256xi32, #tpu.memory_space<vmem>>[vector<16xi32>, vector<16xi32>], vector<16xi32>,
        %parallel_loop3A_166 = vector.bitcast %parallel_loop3A_165 : vector<16xi32> to vector<32xbf16>
        %parallel_loop3A_167 = tpu.vector_load_idx %arg6[%parallel_loop3A_63, %parallel_loop3A_162] : memref<128x256xi32, #tpu.memory_space<vmem>>[vector<16xi32>, vector<16xi32>], vector<16xi32>,
        %parallel_loop3A_168 = vector.bitcast %parallel_loop3A_167 : vector<16xi32> to vector<32xbf16>
        %parallel_loop3A_169 = arith.mulf %parallel_loop3A_164, %parallel_loop3A_67 : vector<32xbf16>
        %parallel_loop3A_170 = arith.mulf %parallel_loop3A_166, %parallel_loop3A_68 : vector<32xbf16>
        %parallel_loop3A_171 = arith.addf %parallel_loop3A_169, %parallel_loop3A_170 : vector<32xbf16>
        %parallel_loop3A_172 = arith.mulf %parallel_loop3A_168, %parallel_loop3A_69 : vector<32xbf16>
        %parallel_loop3A_173 = arith.addf %parallel_loop3A_171, %parallel_loop3A_172 : vector<32xbf16>
        %parallel_loop3A_174 = vector.bitcast %parallel_loop3A_173 : vector<32xbf16> to vector<16xi32>
        %parallel_loop3A_175 = arith.index_cast %parallel_loop3A_56 : i32 to index
        %parallel_loop3A_176 = arith.constant 80 : index
        %parallel_loop3A_177 = tpu.vector_load %arg13[%parallel_loop3A_175, %parallel_loop3A_176] {strides = array<i32>} : memref<32x256xi32, #tpu.memory_space<vmem>>, vector<16xi32>,
        tpu.vector_store %arg13[%parallel_loop3A_175, %parallel_loop3A_176], %parallel_loop3A_174 {strides = array<i32>} : memref<32x256xi32, #tpu.memory_space<vmem>>, vector<16xi32>,
        %parallel_loop3A_178 = arith.constant 96 : i32
        %parallel_loop3A_179 = vector.broadcast %parallel_loop3A_178 : i32 to vector<16xi32>
        %parallel_loop3A_180 = arith.addi %iota3A, %parallel_loop3A_179 : vector<16xi32>
        %parallel_loop3A_181 = tpu.vector_load_idx %arg6[%parallel_loop3A_61, %parallel_loop3A_180] : memref<128x256xi32, #tpu.memory_space<vmem>>[vector<16xi32>, vector<16xi32>], vector<16xi32>,
        %parallel_loop3A_182 = vector.bitcast %parallel_loop3A_181 : vector<16xi32> to vector<32xbf16>
        %parallel_loop3A_183 = tpu.vector_load_idx %arg6[%parallel_loop3A_62, %parallel_loop3A_180] : memref<128x256xi32, #tpu.memory_space<vmem>>[vector<16xi32>, vector<16xi32>], vector<16xi32>,
        %parallel_loop3A_184 = vector.bitcast %parallel_loop3A_183 : vector<16xi32> to vector<32xbf16>
        %parallel_loop3A_185 = tpu.vector_load_idx %arg6[%parallel_loop3A_63, %parallel_loop3A_180] : memref<128x256xi32, #tpu.memory_space<vmem>>[vector<16xi32>, vector<16xi32>], vector<16xi32>,
        %parallel_loop3A_186 = vector.bitcast %parallel_loop3A_185 : vector<16xi32> to vector<32xbf16>
        %parallel_loop3A_187 = arith.mulf %parallel_loop3A_182, %parallel_loop3A_67 : vector<32xbf16>
        %parallel_loop3A_188 = arith.mulf %parallel_loop3A_184, %parallel_loop3A_68 : vector<32xbf16>
        %parallel_loop3A_189 = arith.addf %parallel_loop3A_187, %parallel_loop3A_188 : vector<32xbf16>
        %parallel_loop3A_190 = arith.mulf %parallel_loop3A_186, %parallel_loop3A_69 : vector<32xbf16>
        %parallel_loop3A_191 = arith.addf %parallel_loop3A_189, %parallel_loop3A_190 : vector<32xbf16>
        %parallel_loop3A_192 = vector.bitcast %parallel_loop3A_191 : vector<32xbf16> to vector<16xi32>
        %parallel_loop3A_193 = arith.index_cast %parallel_loop3A_56 : i32 to index
        %parallel_loop3A_194 = arith.constant 96 : index
        %parallel_loop3A_195 = tpu.vector_load %arg13[%parallel_loop3A_193, %parallel_loop3A_194] {strides = array<i32>} : memref<32x256xi32, #tpu.memory_space<vmem>>, vector<16xi32>,
        tpu.vector_store %arg13[%parallel_loop3A_193, %parallel_loop3A_194], %parallel_loop3A_192 {strides = array<i32>} : memref<32x256xi32, #tpu.memory_space<vmem>>, vector<16xi32>,
        %parallel_loop3A_196 = arith.constant 112 : i32
        %parallel_loop3A_197 = vector.broadcast %parallel_loop3A_196 : i32 to vector<16xi32>
        %parallel_loop3A_198 = arith.addi %iota3A, %parallel_loop3A_197 : vector<16xi32>
        %parallel_loop3A_199 = tpu.vector_load_idx %arg6[%parallel_loop3A_61, %parallel_loop3A_198] : memref<128x256xi32, #tpu.memory_space<vmem>>[vector<16xi32>, vector<16xi32>], vector<16xi32>,
        %parallel_loop3A_200 = vector.bitcast %parallel_loop3A_199 : vector<16xi32> to vector<32xbf16>
        %parallel_loop3A_201 = tpu.vector_load_idx %arg6[%parallel_loop3A_62, %parallel_loop3A_198] : memref<128x256xi32, #tpu.memory_space<vmem>>[vector<16xi32>, vector<16xi32>], vector<16xi32>,
        %parallel_loop3A_202 = vector.bitcast %parallel_loop3A_201 : vector<16xi32> to vector<32xbf16>
        %parallel_loop3A_203 = tpu.vector_load_idx %arg6[%parallel_loop3A_63, %parallel_loop3A_198] : memref<128x256xi32, #tpu.memory_space<vmem>>[vector<16xi32>, vector<16xi32>], vector<16xi32>,
        %parallel_loop3A_204 = vector.bitcast %parallel_loop3A_203 : vector<16xi32> to vector<32xbf16>
        %parallel_loop3A_205 = arith.mulf %parallel_loop3A_200, %parallel_loop3A_67 : vector<32xbf16>
        %parallel_loop3A_206 = arith.mulf %parallel_loop3A_202, %parallel_loop3A_68 : vector<32xbf16>
        %parallel_loop3A_207 = arith.addf %parallel_loop3A_205, %parallel_loop3A_206 : vector<32xbf16>
        %parallel_loop3A_208 = arith.mulf %parallel_loop3A_204, %parallel_loop3A_69 : vector<32xbf16>
        %parallel_loop3A_209 = arith.addf %parallel_loop3A_207, %parallel_loop3A_208 : vector<32xbf16>
        %parallel_loop3A_210 = vector.bitcast %parallel_loop3A_209 : vector<32xbf16> to vector<16xi32>
        %parallel_loop3A_211 = arith.index_cast %parallel_loop3A_56 : i32 to index
        %parallel_loop3A_212 = arith.constant 112 : index
        %parallel_loop3A_213 = tpu.vector_load %arg13[%parallel_loop3A_211, %parallel_loop3A_212] {strides = array<i32>} : memref<32x256xi32, #tpu.memory_space<vmem>>, vector<16xi32>,
        tpu.vector_store %arg13[%parallel_loop3A_211, %parallel_loop3A_212], %parallel_loop3A_210 {strides = array<i32>} : memref<32x256xi32, #tpu.memory_space<vmem>>, vector<16xi32>,
        %parallel_loop3A_214 = arith.constant 128 : i32
        %parallel_loop3A_215 = vector.broadcast %parallel_loop3A_214 : i32 to vector<16xi32>
        %parallel_loop3A_216 = arith.addi %iota3A, %parallel_loop3A_215 : vector<16xi32>
        %parallel_loop3A_217 = tpu.vector_load_idx %arg6[%parallel_loop3A_61, %parallel_loop3A_216] : memref<128x256xi32, #tpu.memory_space<vmem>>[vector<16xi32>, vector<16xi32>], vector<16xi32>,
        %parallel_loop3A_218 = vector.bitcast %parallel_loop3A_217 : vector<16xi32> to vector<32xbf16>
        %parallel_loop3A_219 = tpu.vector_load_idx %arg6[%parallel_loop3A_62, %parallel_loop3A_216] : memref<128x256xi32, #tpu.memory_space<vmem>>[vector<16xi32>, vector<16xi32>], vector<16xi32>,
        %parallel_loop3A_220 = vector.bitcast %parallel_loop3A_219 : vector<16xi32> to vector<32xbf16>
        %parallel_loop3A_221 = tpu.vector_load_idx %arg6[%parallel_loop3A_63, %parallel_loop3A_216] : memref<128x256xi32, #tpu.memory_space<vmem>>[vector<16xi32>, vector<16xi32>], vector<16xi32>,
        %parallel_loop3A_222 = vector.bitcast %parallel_loop3A_221 : vector<16xi32> to vector<32xbf16>
        %parallel_loop3A_223 = arith.mulf %parallel_loop3A_218, %parallel_loop3A_67 : vector<32xbf16>
        %parallel_loop3A_224 = arith.mulf %parallel_loop3A_220, %parallel_loop3A_68 : vector<32xbf16>
        %parallel_loop3A_225 = arith.addf %parallel_loop3A_223, %parallel_loop3A_224 : vector<32xbf16>
        %parallel_loop3A_226 = arith.mulf %parallel_loop3A_222, %parallel_loop3A_69 : vector<32xbf16>
        %parallel_loop3A_227 = arith.addf %parallel_loop3A_225, %parallel_loop3A_226 : vector<32xbf16>
        %parallel_loop3A_228 = vector.bitcast %parallel_loop3A_227 : vector<32xbf16> to vector<16xi32>
        %parallel_loop3A_229 = arith.index_cast %parallel_loop3A_56 : i32 to index
        %parallel_loop3A_230 = arith.constant 128 : index
        %parallel_loop3A_231 = tpu.vector_load %arg13[%parallel_loop3A_229, %parallel_loop3A_230] {strides = array<i32>} : memref<32x256xi32, #tpu.memory_space<vmem>>, vector<16xi32>,
        tpu.vector_store %arg13[%parallel_loop3A_229, %parallel_loop3A_230], %parallel_loop3A_228 {strides = array<i32>} : memref<32x256xi32, #tpu.memory_space<vmem>>, vector<16xi32>,
        %parallel_loop3A_232 = arith.constant 144 : i32
        %parallel_loop3A_233 = vector.broadcast %parallel_loop3A_232 : i32 to vector<16xi32>
        %parallel_loop3A_234 = arith.addi %iota3A, %parallel_loop3A_233 : vector<16xi32>
        %parallel_loop3A_235 = tpu.vector_load_idx %arg6[%parallel_loop3A_61, %parallel_loop3A_234] : memref<128x256xi32, #tpu.memory_space<vmem>>[vector<16xi32>, vector<16xi32>], vector<16xi32>,
        %parallel_loop3A_236 = vector.bitcast %parallel_loop3A_235 : vector<16xi32> to vector<32xbf16>
        %parallel_loop3A_237 = tpu.vector_load_idx %arg6[%parallel_loop3A_62, %parallel_loop3A_234] : memref<128x256xi32, #tpu.memory_space<vmem>>[vector<16xi32>, vector<16xi32>], vector<16xi32>,
        %parallel_loop3A_238 = vector.bitcast %parallel_loop3A_237 : vector<16xi32> to vector<32xbf16>
        %parallel_loop3A_239 = tpu.vector_load_idx %arg6[%parallel_loop3A_63, %parallel_loop3A_234] : memref<128x256xi32, #tpu.memory_space<vmem>>[vector<16xi32>, vector<16xi32>], vector<16xi32>,
        %parallel_loop3A_240 = vector.bitcast %parallel_loop3A_239 : vector<16xi32> to vector<32xbf16>
        %parallel_loop3A_241 = arith.mulf %parallel_loop3A_236, %parallel_loop3A_67 : vector<32xbf16>
        %parallel_loop3A_242 = arith.mulf %parallel_loop3A_238, %parallel_loop3A_68 : vector<32xbf16>
        %parallel_loop3A_243 = arith.addf %parallel_loop3A_241, %parallel_loop3A_242 : vector<32xbf16>
        %parallel_loop3A_244 = arith.mulf %parallel_loop3A_240, %parallel_loop3A_69 : vector<32xbf16>
        %parallel_loop3A_245 = arith.addf %parallel_loop3A_243, %parallel_loop3A_244 : vector<32xbf16>
        %parallel_loop3A_246 = vector.bitcast %parallel_loop3A_245 : vector<32xbf16> to vector<16xi32>
        %parallel_loop3A_247 = arith.index_cast %parallel_loop3A_56 : i32 to index
        %parallel_loop3A_248 = arith.constant 144 : index
        %parallel_loop3A_249 = tpu.vector_load %arg13[%parallel_loop3A_247, %parallel_loop3A_248] {strides = array<i32>} : memref<32x256xi32, #tpu.memory_space<vmem>>, vector<16xi32>,
        tpu.vector_store %arg13[%parallel_loop3A_247, %parallel_loop3A_248], %parallel_loop3A_246 {strides = array<i32>} : memref<32x256xi32, #tpu.memory_space<vmem>>, vector<16xi32>,
        %parallel_loop3A_250 = arith.constant 160 : i32
        %parallel_loop3A_251 = vector.broadcast %parallel_loop3A_250 : i32 to vector<16xi32>
        %parallel_loop3A_252 = arith.addi %iota3A, %parallel_loop3A_251 : vector<16xi32>
        %parallel_loop3A_253 = tpu.vector_load_idx %arg6[%parallel_loop3A_61, %parallel_loop3A_252] : memref<128x256xi32, #tpu.memory_space<vmem>>[vector<16xi32>, vector<16xi32>], vector<16xi32>,
        %parallel_loop3A_254 = vector.bitcast %parallel_loop3A_253 : vector<16xi32> to vector<32xbf16>
        %parallel_loop3A_255 = tpu.vector_load_idx %arg6[%parallel_loop3A_62, %parallel_loop3A_252] : memref<128x256xi32, #tpu.memory_space<vmem>>[vector<16xi32>, vector<16xi32>], vector<16xi32>,
        %parallel_loop3A_256 = vector.bitcast %parallel_loop3A_255 : vector<16xi32> to vector<32xbf16>
        %parallel_loop3A_257 = tpu.vector_load_idx %arg6[%parallel_loop3A_63, %parallel_loop3A_252] : memref<128x256xi32, #tpu.memory_space<vmem>>[vector<16xi32>, vector<16xi32>], vector<16xi32>,
        %parallel_loop3A_258 = vector.bitcast %parallel_loop3A_257 : vector<16xi32> to vector<32xbf16>
        %parallel_loop3A_259 = arith.mulf %parallel_loop3A_254, %parallel_loop3A_67 : vector<32xbf16>
        %parallel_loop3A_260 = arith.mulf %parallel_loop3A_256, %parallel_loop3A_68 : vector<32xbf16>
        %parallel_loop3A_261 = arith.addf %parallel_loop3A_259, %parallel_loop3A_260 : vector<32xbf16>
        %parallel_loop3A_262 = arith.mulf %parallel_loop3A_258, %parallel_loop3A_69 : vector<32xbf16>
        %parallel_loop3A_263 = arith.addf %parallel_loop3A_261, %parallel_loop3A_262 : vector<32xbf16>
        %parallel_loop3A_264 = vector.bitcast %parallel_loop3A_263 : vector<32xbf16> to vector<16xi32>
        %parallel_loop3A_265 = arith.index_cast %parallel_loop3A_56 : i32 to index
        %parallel_loop3A_266 = arith.constant 160 : index
        %parallel_loop3A_267 = tpu.vector_load %arg13[%parallel_loop3A_265, %parallel_loop3A_266] {strides = array<i32>} : memref<32x256xi32, #tpu.memory_space<vmem>>, vector<16xi32>,
        tpu.vector_store %arg13[%parallel_loop3A_265, %parallel_loop3A_266], %parallel_loop3A_264 {strides = array<i32>} : memref<32x256xi32, #tpu.memory_space<vmem>>, vector<16xi32>,
        %parallel_loop3A_268 = arith.constant 176 : i32
        %parallel_loop3A_269 = vector.broadcast %parallel_loop3A_268 : i32 to vector<16xi32>
        %parallel_loop3A_270 = arith.addi %iota3A, %parallel_loop3A_269 : vector<16xi32>
        %parallel_loop3A_271 = tpu.vector_load_idx %arg6[%parallel_loop3A_61, %parallel_loop3A_270] : memref<128x256xi32, #tpu.memory_space<vmem>>[vector<16xi32>, vector<16xi32>], vector<16xi32>,
        %parallel_loop3A_272 = vector.bitcast %parallel_loop3A_271 : vector<16xi32> to vector<32xbf16>
        %parallel_loop3A_273 = tpu.vector_load_idx %arg6[%parallel_loop3A_62, %parallel_loop3A_270] : memref<128x256xi32, #tpu.memory_space<vmem>>[vector<16xi32>, vector<16xi32>], vector<16xi32>,
        %parallel_loop3A_274 = vector.bitcast %parallel_loop3A_273 : vector<16xi32> to vector<32xbf16>
        %parallel_loop3A_275 = tpu.vector_load_idx %arg6[%parallel_loop3A_63, %parallel_loop3A_270] : memref<128x256xi32, #tpu.memory_space<vmem>>[vector<16xi32>, vector<16xi32>], vector<16xi32>,
        %parallel_loop3A_276 = vector.bitcast %parallel_loop3A_275 : vector<16xi32> to vector<32xbf16>
        %parallel_loop3A_277 = arith.mulf %parallel_loop3A_272, %parallel_loop3A_67 : vector<32xbf16>
        %parallel_loop3A_278 = arith.mulf %parallel_loop3A_274, %parallel_loop3A_68 : vector<32xbf16>
        %parallel_loop3A_279 = arith.addf %parallel_loop3A_277, %parallel_loop3A_278 : vector<32xbf16>
        %parallel_loop3A_280 = arith.mulf %parallel_loop3A_276, %parallel_loop3A_69 : vector<32xbf16>
        %parallel_loop3A_281 = arith.addf %parallel_loop3A_279, %parallel_loop3A_280 : vector<32xbf16>
        %parallel_loop3A_282 = vector.bitcast %parallel_loop3A_281 : vector<32xbf16> to vector<16xi32>
        %parallel_loop3A_283 = arith.index_cast %parallel_loop3A_56 : i32 to index
        %parallel_loop3A_284 = arith.constant 176 : index
        %parallel_loop3A_285 = tpu.vector_load %arg13[%parallel_loop3A_283, %parallel_loop3A_284] {strides = array<i32>} : memref<32x256xi32, #tpu.memory_space<vmem>>, vector<16xi32>,
        tpu.vector_store %arg13[%parallel_loop3A_283, %parallel_loop3A_284], %parallel_loop3A_282 {strides = array<i32>} : memref<32x256xi32, #tpu.memory_space<vmem>>, vector<16xi32>,
        %parallel_loop3A_286 = arith.constant 192 : i32
        %parallel_loop3A_287 = vector.broadcast %parallel_loop3A_286 : i32 to vector<16xi32>
        %parallel_loop3A_288 = arith.addi %iota3A, %parallel_loop3A_287 : vector<16xi32>
        %parallel_loop3A_289 = tpu.vector_load_idx %arg6[%parallel_loop3A_61, %parallel_loop3A_288] : memref<128x256xi32, #tpu.memory_space<vmem>>[vector<16xi32>, vector<16xi32>], vector<16xi32>,
        %parallel_loop3A_290 = vector.bitcast %parallel_loop3A_289 : vector<16xi32> to vector<32xbf16>
        %parallel_loop3A_291 = tpu.vector_load_idx %arg6[%parallel_loop3A_62, %parallel_loop3A_288] : memref<128x256xi32, #tpu.memory_space<vmem>>[vector<16xi32>, vector<16xi32>], vector<16xi32>,
        %parallel_loop3A_292 = vector.bitcast %parallel_loop3A_291 : vector<16xi32> to vector<32xbf16>
        %parallel_loop3A_293 = tpu.vector_load_idx %arg6[%parallel_loop3A_63, %parallel_loop3A_288] : memref<128x256xi32, #tpu.memory_space<vmem>>[vector<16xi32>, vector<16xi32>], vector<16xi32>,
        %parallel_loop3A_294 = vector.bitcast %parallel_loop3A_293 : vector<16xi32> to vector<32xbf16>
        %parallel_loop3A_295 = arith.mulf %parallel_loop3A_290, %parallel_loop3A_67 : vector<32xbf16>
        %parallel_loop3A_296 = arith.mulf %parallel_loop3A_292, %parallel_loop3A_68 : vector<32xbf16>
        %parallel_loop3A_297 = arith.addf %parallel_loop3A_295, %parallel_loop3A_296 : vector<32xbf16>
        %parallel_loop3A_298 = arith.mulf %parallel_loop3A_294, %parallel_loop3A_69 : vector<32xbf16>
        %parallel_loop3A_299 = arith.addf %parallel_loop3A_297, %parallel_loop3A_298 : vector<32xbf16>
        %parallel_loop3A_300 = vector.bitcast %parallel_loop3A_299 : vector<32xbf16> to vector<16xi32>
        %parallel_loop3A_301 = arith.index_cast %parallel_loop3A_56 : i32 to index
        %parallel_loop3A_302 = arith.constant 192 : index
        %parallel_loop3A_303 = tpu.vector_load %arg13[%parallel_loop3A_301, %parallel_loop3A_302] {strides = array<i32>} : memref<32x256xi32, #tpu.memory_space<vmem>>, vector<16xi32>,
        tpu.vector_store %arg13[%parallel_loop3A_301, %parallel_loop3A_302], %parallel_loop3A_300 {strides = array<i32>} : memref<32x256xi32, #tpu.memory_space<vmem>>, vector<16xi32>,
        %parallel_loop3A_304 = arith.constant 208 : i32
        %parallel_loop3A_305 = vector.broadcast %parallel_loop3A_304 : i32 to vector<16xi32>
        %parallel_loop3A_306 = arith.addi %iota3A, %parallel_loop3A_305 : vector<16xi32>
        %parallel_loop3A_307 = tpu.vector_load_idx %arg6[%parallel_loop3A_61, %parallel_loop3A_306] : memref<128x256xi32, #tpu.memory_space<vmem>>[vector<16xi32>, vector<16xi32>], vector<16xi32>,
        %parallel_loop3A_308 = vector.bitcast %parallel_loop3A_307 : vector<16xi32> to vector<32xbf16>
        %parallel_loop3A_309 = tpu.vector_load_idx %arg6[%parallel_loop3A_62, %parallel_loop3A_306] : memref<128x256xi32, #tpu.memory_space<vmem>>[vector<16xi32>, vector<16xi32>], vector<16xi32>,
        %parallel_loop3A_310 = vector.bitcast %parallel_loop3A_309 : vector<16xi32> to vector<32xbf16>
        %parallel_loop3A_311 = tpu.vector_load_idx %arg6[%parallel_loop3A_63, %parallel_loop3A_306] : memref<128x256xi32, #tpu.memory_space<vmem>>[vector<16xi32>, vector<16xi32>], vector<16xi32>,
        %parallel_loop3A_312 = vector.bitcast %parallel_loop3A_311 : vector<16xi32> to vector<32xbf16>
        %parallel_loop3A_313 = arith.mulf %parallel_loop3A_308, %parallel_loop3A_67 : vector<32xbf16>
        %parallel_loop3A_314 = arith.mulf %parallel_loop3A_310, %parallel_loop3A_68 : vector<32xbf16>
        %parallel_loop3A_315 = arith.addf %parallel_loop3A_313, %parallel_loop3A_314 : vector<32xbf16>
        %parallel_loop3A_316 = arith.mulf %parallel_loop3A_312, %parallel_loop3A_69 : vector<32xbf16>
        %parallel_loop3A_317 = arith.addf %parallel_loop3A_315, %parallel_loop3A_316 : vector<32xbf16>
        %parallel_loop3A_318 = vector.bitcast %parallel_loop3A_317 : vector<32xbf16> to vector<16xi32>
        %parallel_loop3A_319 = arith.index_cast %parallel_loop3A_56 : i32 to index
        %parallel_loop3A_320 = arith.constant 208 : index
        %parallel_loop3A_321 = tpu.vector_load %arg13[%parallel_loop3A_319, %parallel_loop3A_320] {strides = array<i32>} : memref<32x256xi32, #tpu.memory_space<vmem>>, vector<16xi32>,
        tpu.vector_store %arg13[%parallel_loop3A_319, %parallel_loop3A_320], %parallel_loop3A_318 {strides = array<i32>} : memref<32x256xi32, #tpu.memory_space<vmem>>, vector<16xi32>,
        %parallel_loop3A_322 = arith.constant 224 : i32
        %parallel_loop3A_323 = vector.broadcast %parallel_loop3A_322 : i32 to vector<16xi32>
        %parallel_loop3A_324 = arith.addi %iota3A, %parallel_loop3A_323 : vector<16xi32>
        %parallel_loop3A_325 = tpu.vector_load_idx %arg6[%parallel_loop3A_61, %parallel_loop3A_324] : memref<128x256xi32, #tpu.memory_space<vmem>>[vector<16xi32>, vector<16xi32>], vector<16xi32>,
        %parallel_loop3A_326 = vector.bitcast %parallel_loop3A_325 : vector<16xi32> to vector<32xbf16>
        %parallel_loop3A_327 = tpu.vector_load_idx %arg6[%parallel_loop3A_62, %parallel_loop3A_324] : memref<128x256xi32, #tpu.memory_space<vmem>>[vector<16xi32>, vector<16xi32>], vector<16xi32>,
        %parallel_loop3A_328 = vector.bitcast %parallel_loop3A_327 : vector<16xi32> to vector<32xbf16>
        %parallel_loop3A_329 = tpu.vector_load_idx %arg6[%parallel_loop3A_63, %parallel_loop3A_324] : memref<128x256xi32, #tpu.memory_space<vmem>>[vector<16xi32>, vector<16xi32>], vector<16xi32>,
        %parallel_loop3A_330 = vector.bitcast %parallel_loop3A_329 : vector<16xi32> to vector<32xbf16>
        %parallel_loop3A_331 = arith.mulf %parallel_loop3A_326, %parallel_loop3A_67 : vector<32xbf16>
        %parallel_loop3A_332 = arith.mulf %parallel_loop3A_328, %parallel_loop3A_68 : vector<32xbf16>
        %parallel_loop3A_333 = arith.addf %parallel_loop3A_331, %parallel_loop3A_332 : vector<32xbf16>
        %parallel_loop3A_334 = arith.mulf %parallel_loop3A_330, %parallel_loop3A_69 : vector<32xbf16>
        %parallel_loop3A_335 = arith.addf %parallel_loop3A_333, %parallel_loop3A_334 : vector<32xbf16>
        %parallel_loop3A_336 = vector.bitcast %parallel_loop3A_335 : vector<32xbf16> to vector<16xi32>
        %parallel_loop3A_337 = arith.index_cast %parallel_loop3A_56 : i32 to index
        %parallel_loop3A_338 = arith.constant 224 : index
        %parallel_loop3A_339 = tpu.vector_load %arg13[%parallel_loop3A_337, %parallel_loop3A_338] {strides = array<i32>} : memref<32x256xi32, #tpu.memory_space<vmem>>, vector<16xi32>,
        tpu.vector_store %arg13[%parallel_loop3A_337, %parallel_loop3A_338], %parallel_loop3A_336 {strides = array<i32>} : memref<32x256xi32, #tpu.memory_space<vmem>>, vector<16xi32>,
        %parallel_loop3A_340 = arith.constant 240 : i32
        %parallel_loop3A_341 = vector.broadcast %parallel_loop3A_340 : i32 to vector<16xi32>
        %parallel_loop3A_342 = arith.addi %iota3A, %parallel_loop3A_341 : vector<16xi32>
        %parallel_loop3A_343 = tpu.vector_load_idx %arg6[%parallel_loop3A_61, %parallel_loop3A_342] : memref<128x256xi32, #tpu.memory_space<vmem>>[vector<16xi32>, vector<16xi32>], vector<16xi32>,
        %parallel_loop3A_344 = vector.bitcast %parallel_loop3A_343 : vector<16xi32> to vector<32xbf16>
        %parallel_loop3A_345 = tpu.vector_load_idx %arg6[%parallel_loop3A_62, %parallel_loop3A_342] : memref<128x256xi32, #tpu.memory_space<vmem>>[vector<16xi32>, vector<16xi32>], vector<16xi32>,
        %parallel_loop3A_346 = vector.bitcast %parallel_loop3A_345 : vector<16xi32> to vector<32xbf16>
        %parallel_loop3A_347 = tpu.vector_load_idx %arg6[%parallel_loop3A_63, %parallel_loop3A_342] : memref<128x256xi32, #tpu.memory_space<vmem>>[vector<16xi32>, vector<16xi32>], vector<16xi32>,
        %parallel_loop3A_348 = vector.bitcast %parallel_loop3A_347 : vector<16xi32> to vector<32xbf16>
        %parallel_loop3A_349 = arith.mulf %parallel_loop3A_344, %parallel_loop3A_67 : vector<32xbf16>
        %parallel_loop3A_350 = arith.mulf %parallel_loop3A_346, %parallel_loop3A_68 : vector<32xbf16>
        %parallel_loop3A_351 = arith.addf %parallel_loop3A_349, %parallel_loop3A_350 : vector<32xbf16>
        %parallel_loop3A_352 = arith.mulf %parallel_loop3A_348, %parallel_loop3A_69 : vector<32xbf16>
        %parallel_loop3A_353 = arith.addf %parallel_loop3A_351, %parallel_loop3A_352 : vector<32xbf16>
        %parallel_loop3A_354 = vector.bitcast %parallel_loop3A_353 : vector<32xbf16> to vector<16xi32>
        %parallel_loop3A_355 = arith.index_cast %parallel_loop3A_56 : i32 to index
        %parallel_loop3A_356 = arith.constant 240 : index
        %parallel_loop3A_357 = tpu.vector_load %arg13[%parallel_loop3A_355, %parallel_loop3A_356] {strides = array<i32>} : memref<32x256xi32, #tpu.memory_space<vmem>>, vector<16xi32>,
        tpu.vector_store %arg13[%parallel_loop3A_355, %parallel_loop3A_356], %parallel_loop3A_354 {strides = array<i32>} : memref<32x256xi32, #tpu.memory_space<vmem>>, vector<16xi32>,
      } {sc.loop_unroll_factor = 1 : i64, sc.parallel_access}
      %mul3A_50 = arith.constant 1024 : i32
      %mul3A_51 = arith.muli %add3A, %mul3A_50 : i32
      %mul3A_52 = arith.constant 32 : i32
      %mul3A_53 = arith.muli %scan3A_46, %mul3A_52 : i32
      %add3A_54 = arith.addi %mul3A_51, %mul3A_53 : i32
      "tpu.region"() ({
        %run_scoped3A_56 = tpu.sem_alloc : memref<!tpu.dma_semaphore, #tpu.memory_space<semaphore_mem>>
        %dma_start3A = arith.constant 0 : i32
        %dma_start3A_57 = tpu.memref_slice %arg5[%add3A_54, %dma_start3A] : memref<32768x256xi32, #tpu.memory_space<hbm>> -> memref<32x256xi32, #tpu.memory_space<hbm>>
        %dma_start3A_58 = arith.constant 0 : i32
        %dma_start3A_59 = tpu.memref_slice %arg5[%add3A_54, %dma_start3A_58] : memref<32768x256xi32, #tpu.memory_space<hbm>> -> memref<32x256xi32, #tpu.memory_space<hbm>>
        tpu.enqueue_dma source(%arg13 : memref<32x256xi32, #tpu.memory_space<vmem>>) target(%dma_start3A_59 : memref<32x256xi32, #tpu.memory_space<hbm>>) target_semaphore(%run_scoped3A_56 : memref<!tpu.dma_semaphore, #tpu.memory_space<semaphore_mem>>)
        %dma_wait3A = arith.constant 0 : i32
        %dma_wait3A_60 = tpu.memref_slice %arg5[%add3A_54, %dma_wait3A] : memref<32768x256xi32, #tpu.memory_space<hbm>> -> memref<32x256xi32, #tpu.memory_space<hbm>>
        %dma_wait3A_61 = arith.constant 0 : i32
        %dma_wait3A_62 = tpu.memref_slice %arg5[%add3A_54, %dma_wait3A_61] : memref<32768x256xi32, #tpu.memory_space<hbm>> -> memref<32x256xi32, #tpu.memory_space<hbm>>
        tpu.wait_dma2 semaphore(%run_scoped3A_56 : memref<!tpu.dma_semaphore, #tpu.memory_space<semaphore_mem>>) src(%arg13 : memref<32x256xi32, #tpu.memory_space<vmem>>) dst(%dma_wait3A_62 : memref<32x256xi32, #tpu.memory_space<hbm>>)
        tpu.yield
      }) : () -> ()
      %scan3A_55 = arith.constant 0 : i32
      scf.yield %scan3A_55 : i32
    }
    %scan3A_45 = arith.constant 32 : i32
    return
  }
}

module attributes {stable_mosaic.version = 14 : i64} {
  func.func @_k1b_body(%arg0: i32, %arg1: i32, %arg2: memref<1x2048x3xf32, #tpu.memory_space<vmem>>, %arg3: memref<1x128x3xf32, #tpu.memory_space<vmem>>, %arg4: memref<1x8x2048xi32, #tpu.memory_space<vmem>>, %arg5: memref<1x8x2048xf32, #tpu.memory_space<vmem>>, %arg6: memref<1x128x128xf32, #tpu.memory_space<vmem>>) attributes {dimension_semantics = [#tpu.dimension_semantics<arbitrary>, #tpu.dimension_semantics<arbitrary>], iteration_bounds = array<i64: 16, 1>, scalar_prefetch = 0 : i64, scratch_operands = 0 : i64, tpu.core_type = #tpu.core_type<tc>, window_params = [{transform_indices = @transform_0, window_bounds = array<i64: 1, 2048, 3>}, {transform_indices = @transform_1, window_bounds = array<i64: 1, 128, 3>}, {transform_indices = @transform_2, window_bounds = array<i64: 1, 8, 2048>}, {transform_indices = @transform_3, window_bounds = array<i64: 1, 8, 2048>}, {transform_indices = @transform_4, window_bounds = array<i64: 1, 128, 128>}]} {
    %get3A = arith.constant 0 : index
    %get3A_0 = arith.constant 0 : index
    %get3A_1 = arith.constant 0 : index
    %get3A_2 = vector.load %arg2[%get3A, %get3A_0, %get3A_1] : memref<1x2048x3xf32, #tpu.memory_space<vmem>>, vector<1x2048x3xf32>
    %get3A_3 = vector.shape_cast %get3A_2 : vector<1x2048x3xf32> to vector<2048x3xf32>
    %get3A_4 = arith.constant 0 : index
    %get3A_5 = arith.constant 0 : index
    %get3A_6 = arith.constant 0 : index
    %get3A_7 = vector.load %arg3[%get3A_4, %get3A_5, %get3A_6] : memref<1x128x3xf32, #tpu.memory_space<vmem>>, vector<1x128x3xf32>
    %get3A_8 = vector.shape_cast %get3A_7 : vector<1x128x3xf32> to vector<128x3xf32>
    %mul3A = arith.mulf %get3A_8, %get3A_8 : vector<128x3xf32>
    %reduce_sum3A = arith.constant dense<0.000000e+00> : vector<128xf32>
    %reduce_sum3A_9 = vector.multi_reduction <add>, %mul3A, %reduce_sum3A [1] : vector<128x3xf32> to vector<128xf32>
    %broadcast_in_dim3A = vector.shape_cast %reduce_sum3A_9 : vector<128xf32> to vector<128x1xf32>
    %broadcast_in_dim3A_10 = arith.constant 1.000000e+00 : f32
    %broadcast_in_dim3A_11 = vector.broadcast %broadcast_in_dim3A_10 : f32 to vector<1x3xf32>
    %mul3A_12 = arith.mulf %get3A_3, %get3A_3 : vector<2048x3xf32>
    %dot_general3A = arith.constant dense<0.000000e+00> : vector<1x2048xf32>
    %dot_general3A_13 = tpu.matmul %broadcast_in_dim3A_11, %mul3A_12, %dot_general3A {dimension_numbers = #tpu.dot_dimension_numbers<[1], [1], [0], [0], [0, 0, 1, 0], [], []>, precision = #tpu.contract_precision<fp32>, transpose_lhs_hint = false} : vector<1x3xf32>, vector<2048x3xf32>, vector<1x2048xf32> -> vector<1x2048xf32>
    %dot_general3A_14 = arith.constant dense<0.000000e+00> : vector<128x2048xf32>
    %dot_general3A_15 = tpu.matmul %get3A_8, %get3A_3, %dot_general3A_14 {dimension_numbers = #tpu.dot_dimension_numbers<[1], [1], [0], [0], [0, 0, 1, 0], [], []>, transpose_lhs_hint = false} : vector<128x3xf32>, vector<2048x3xf32>, vector<128x2048xf32> -> vector<128x2048xf32>
    %mul3A_16 = arith.constant 2.000000e+00 : f32
    %mul3A_17 = vector.broadcast %mul3A_16 : f32 to vector<128x2048xf32>
    %mul3A_18 = arith.mulf %mul3A_17, %dot_general3A_15 : vector<128x2048xf32>
    %sub3A = vector.broadcast %broadcast_in_dim3A : vector<128x1xf32> to vector<128x2048xf32>
    %sub3A_19 = arith.subf %sub3A, %mul3A_18 : vector<128x2048xf32>
    %add3A = vector.broadcast %dot_general3A_13 : vector<1x2048xf32> to vector<128x2048xf32>
    %add3A_20 = arith.addf %sub3A_19, %add3A : vector<128x2048xf32>
    %iota3A = tpu.iota {dimensions = array<i32: 0>} : vector<128x2048xi32>
    %reduce_min3A = arith.constant dense<0x7F800000> : vector<2048xf32>
    %reduce_min3A_21 = vector.multi_reduction <minimumf>, %add3A_20, %reduce_min3A [0] : vector<128x2048xf32> to vector<2048xf32>
    %broadcast_in_dim3A_22 = vector.shape_cast %reduce_min3A_21 : vector<2048xf32> to vector<1x2048xf32>
    %eq3A = vector.broadcast %broadcast_in_dim3A_22 : vector<1x2048xf32> to vector<128x2048xf32>
    %eq3A_23 = arith.cmpf oeq, %add3A_20, %eq3A : vector<128x2048xf32>
    %jit3A = arith.constant 128 : i32
    %broadcast_in_dim3A_24 = vector.broadcast %jit3A : i32 to vector<128x2048xi32>
    %select_n3A = arith.select %eq3A_23, %iota3A, %broadcast_in_dim3A_24 : vector<128x2048xi1>, vector<128x2048xi32>
    %reduce_min3A_25 = arith.constant dense<2147483647> : vector<2048xi32>
    %reduce_min3A_26 = vector.multi_reduction <minsi>, %select_n3A, %reduce_min3A_25 [0] : vector<128x2048xi32> to vector<2048xi32>
    %broadcast_in_dim3A_27 = vector.shape_cast %reduce_min3A_26 : vector<2048xi32> to vector<1x2048xi32>
    %eq3A_28 = vector.broadcast %broadcast_in_dim3A_27 : vector<1x2048xi32> to vector<128x2048xi32>
    %eq3A_29 = arith.cmpi eq, %iota3A, %eq3A_28 : vector<128x2048xi32>
    %jit3A_30 = arith.constant 0x7F800000 : f32
    %broadcast_in_dim3A_31 = vector.broadcast %jit3A_30 : f32 to vector<128x2048xf32>
    %select_n3A_32 = arith.select %eq3A_29, %broadcast_in_dim3A_31, %add3A_20 : vector<128x2048xi1>, vector<128x2048xf32>
    %reduce_min3A_33 = arith.constant dense<0x7F800000> : vector<2048xf32>
    %reduce_min3A_34 = vector.multi_reduction <minimumf>, %select_n3A_32, %reduce_min3A_33 [0] : vector<128x2048xf32> to vector<2048xf32>
    %broadcast_in_dim3A_35 = vector.shape_cast %reduce_min3A_34 : vector<2048xf32> to vector<1x2048xf32>
    %eq3A_36 = vector.broadcast %broadcast_in_dim3A_35 : vector<1x2048xf32> to vector<128x2048xf32>
    %eq3A_37 = arith.cmpf oeq, %select_n3A_32, %eq3A_36 : vector<128x2048xf32>
    %jit3A_38 = arith.constant 128 : i32
    %broadcast_in_dim3A_39 = vector.broadcast %jit3A_38 : i32 to vector<128x2048xi32>
    %select_n3A_40 = arith.select %eq3A_37, %iota3A, %broadcast_in_dim3A_39 : vector<128x2048xi1>, vector<128x2048xi32>
    %reduce_min3A_41 = arith.constant dense<2147483647> : vector<2048xi32>
    %reduce_min3A_42 = vector.multi_reduction <minsi>, %select_n3A_40, %reduce_min3A_41 [0] : vector<128x2048xi32> to vector<2048xi32>
    %broadcast_in_dim3A_43 = vector.shape_cast %reduce_min3A_42 : vector<2048xi32> to vector<1x2048xi32>
    %eq3A_44 = vector.broadcast %broadcast_in_dim3A_43 : vector<1x2048xi32> to vector<128x2048xi32>
    %eq3A_45 = arith.cmpi eq, %iota3A, %eq3A_44 : vector<128x2048xi32>
    %jit3A_46 = arith.constant 0x7F800000 : f32
    %broadcast_in_dim3A_47 = vector.broadcast %jit3A_46 : f32 to vector<128x2048xf32>
    %select_n3A_48 = arith.select %eq3A_45, %broadcast_in_dim3A_47, %select_n3A_32 : vector<128x2048xi1>, vector<128x2048xf32>
    %reduce_min3A_49 = arith.constant dense<0x7F800000> : vector<2048xf32>
    %reduce_min3A_50 = vector.multi_reduction <minimumf>, %select_n3A_48, %reduce_min3A_49 [0] : vector<128x2048xf32> to vector<2048xf32>
    %broadcast_in_dim3A_51 = vector.shape_cast %reduce_min3A_50 : vector<2048xf32> to vector<1x2048xf32>
    %eq3A_52 = vector.broadcast %broadcast_in_dim3A_51 : vector<1x2048xf32> to vector<128x2048xf32>
    %eq3A_53 = arith.cmpf oeq, %select_n3A_48, %eq3A_52 : vector<128x2048xf32>
    %jit3A_54 = arith.constant 128 : i32
    %broadcast_in_dim3A_55 = vector.broadcast %jit3A_54 : i32 to vector<128x2048xi32>
    %select_n3A_56 = arith.select %eq3A_53, %iota3A, %broadcast_in_dim3A_55 : vector<128x2048xi1>, vector<128x2048xi32>
    %reduce_min3A_57 = arith.constant dense<2147483647> : vector<2048xi32>
    %reduce_min3A_58 = vector.multi_reduction <minsi>, %select_n3A_56, %reduce_min3A_57 [0] : vector<128x2048xi32> to vector<2048xi32>
    %broadcast_in_dim3A_59 = vector.shape_cast %reduce_min3A_58 : vector<2048xi32> to vector<1x2048xi32>
    %add3A_60 = arith.constant 9.99999993E-9 : f32
    %add3A_61 = vector.broadcast %add3A_60 : f32 to vector<1x2048xf32>
    %add3A_62 = arith.addf %broadcast_in_dim3A_22, %add3A_61 : vector<1x2048xf32>
    %div3A = arith.constant 1.000000e+00 : f32
    %div3A_63 = vector.broadcast %div3A : f32 to vector<1x2048xf32>
    %div3A_64 = arith.divf %div3A_63, %add3A_62 : vector<1x2048xf32>
    %add3A_65 = arith.constant 9.99999993E-9 : f32
    %add3A_66 = vector.broadcast %add3A_65 : f32 to vector<1x2048xf32>
    %add3A_67 = arith.addf %broadcast_in_dim3A_35, %add3A_66 : vector<1x2048xf32>
    %div3A_68 = arith.constant 1.000000e+00 : f32
    %div3A_69 = vector.broadcast %div3A_68 : f32 to vector<1x2048xf32>
    %div3A_70 = arith.divf %div3A_69, %add3A_67 : vector<1x2048xf32>
    %add3A_71 = arith.constant 9.99999993E-9 : f32
    %add3A_72 = vector.broadcast %add3A_71 : f32 to vector<1x2048xf32>
    %add3A_73 = arith.addf %broadcast_in_dim3A_51, %add3A_72 : vector<1x2048xf32>
    %div3A_74 = arith.constant 1.000000e+00 : f32
    %div3A_75 = vector.broadcast %div3A_74 : f32 to vector<1x2048xf32>
    %div3A_76 = arith.divf %div3A_75, %add3A_73 : vector<1x2048xf32>
    %add3A_77 = arith.addf %div3A_64, %div3A_70 : vector<1x2048xf32>
    %add3A_78 = arith.addf %add3A_77, %div3A_76 : vector<1x2048xf32>
    %div3A_79 = arith.divf %div3A_64, %add3A_78 : vector<1x2048xf32>
    %div3A_80 = arith.divf %div3A_70, %add3A_78 : vector<1x2048xf32>
    %div3A_81 = arith.divf %div3A_76, %add3A_78 : vector<1x2048xf32>
    %eq3A_82 = vector.broadcast %broadcast_in_dim3A_27 : vector<1x2048xi32> to vector<128x2048xi32>
    %eq3A_83 = arith.cmpi eq, %iota3A, %eq3A_82 : vector<128x2048xi32>
    %jit3A_84 = arith.constant 0.000000e+00 : f32
    %broadcast_in_dim3A_85 = vector.shape_cast %div3A_79 : vector<1x2048xf32> to vector<1x2048xf32>
    %broadcast_in_dim3A_86 = vector.broadcast %broadcast_in_dim3A_85 : vector<1x2048xf32> to vector<128x2048xf32>
    %broadcast_in_dim3A_87 = vector.broadcast %jit3A_84 : f32 to vector<128x2048xf32>
    %select_n3A_88 = arith.select %eq3A_83, %broadcast_in_dim3A_86, %broadcast_in_dim3A_87 : vector<128x2048xi1>, vector<128x2048xf32>
    %eq3A_89 = vector.broadcast %broadcast_in_dim3A_43 : vector<1x2048xi32> to vector<128x2048xi32>
    %eq3A_90 = arith.cmpi eq, %iota3A, %eq3A_89 : vector<128x2048xi32>
    %jit3A_91 = arith.constant 0.000000e+00 : f32
    %broadcast_in_dim3A_92 = vector.shape_cast %div3A_80 : vector<1x2048xf32> to vector<1x2048xf32>
    %broadcast_in_dim3A_93 = vector.broadcast %broadcast_in_dim3A_92 : vector<1x2048xf32> to vector<128x2048xf32>
    %broadcast_in_dim3A_94 = vector.broadcast %jit3A_91 : f32 to vector<128x2048xf32>
    %select_n3A_95 = arith.select %eq3A_90, %broadcast_in_dim3A_93, %broadcast_in_dim3A_94 : vector<128x2048xi1>, vector<128x2048xf32>
    %add3A_96 = arith.addf %select_n3A_88, %select_n3A_95 : vector<128x2048xf32>
    %eq3A_97 = vector.broadcast %broadcast_in_dim3A_59 : vector<1x2048xi32> to vector<128x2048xi32>
    %eq3A_98 = arith.cmpi eq, %iota3A, %eq3A_97 : vector<128x2048xi32>
    %jit3A_99 = arith.constant 0.000000e+00 : f32
    %broadcast_in_dim3A_100 = vector.shape_cast %div3A_81 : vector<1x2048xf32> to vector<1x2048xf32>
    %broadcast_in_dim3A_101 = vector.broadcast %broadcast_in_dim3A_100 : vector<1x2048xf32> to vector<128x2048xf32>
    %broadcast_in_dim3A_102 = vector.broadcast %jit3A_99 : f32 to vector<128x2048xf32>
    %select_n3A_103 = arith.select %eq3A_98, %broadcast_in_dim3A_101, %broadcast_in_dim3A_102 : vector<128x2048xi1>, vector<128x2048xf32>
    %add3A_104 = arith.addf %add3A_96, %select_n3A_103 : vector<128x2048xf32>
    %broadcast_in_dim3A_105 = arith.constant 0 : i32
    %broadcast_in_dim3A_106 = vector.broadcast %broadcast_in_dim3A_105 : i32 to vector<1x2048xi32>
    %concatenate3A = tpu.concatenate %broadcast_in_dim3A_27, %broadcast_in_dim3A_43, %broadcast_in_dim3A_59, %broadcast_in_dim3A_106, %broadcast_in_dim3A_106, %broadcast_in_dim3A_106, %broadcast_in_dim3A_106, %broadcast_in_dim3A_106 in 0 : vector<1x2048xi32>, vector<1x2048xi32>, vector<1x2048xi32>, vector<1x2048xi32>, vector<1x2048xi32>, vector<1x2048xi32>, vector<1x2048xi32>, vector<1x2048xi32> -> vector<8x2048xi32>
    %swap3A = arith.constant 0 : index
    %swap3A_107 = arith.constant 0 : index
    %swap3A_108 = arith.constant 0 : index
    %swap3A_109 = vector.load %arg4[%swap3A, %swap3A_107, %swap3A_108] : memref<1x8x2048xi32, #tpu.memory_space<vmem>>, vector<1x8x2048xi32>
    %swap3A_110 = vector.shape_cast %swap3A_109 : vector<1x8x2048xi32> to vector<8x2048xi32>
    %swap3A_111 = vector.shape_cast %concatenate3A : vector<8x2048xi32> to vector<1x8x2048xi32>
    tpu.vector_store %arg4[%swap3A, %swap3A_107, %swap3A_108], %swap3A_111 {strides = array<i32>} : memref<1x8x2048xi32, #tpu.memory_space<vmem>>, vector<1x8x2048xi32>,
    %broadcast_in_dim3A_112 = arith.constant 0.000000e+00 : f32
    %broadcast_in_dim3A_113 = vector.broadcast %broadcast_in_dim3A_112 : f32 to vector<1x2048xf32>
    %concatenate3A_114 = tpu.concatenate %div3A_79, %div3A_80, %div3A_81, %broadcast_in_dim3A_113, %broadcast_in_dim3A_113, %broadcast_in_dim3A_113, %broadcast_in_dim3A_113, %broadcast_in_dim3A_113 in 0 : vector<1x2048xf32>, vector<1x2048xf32>, vector<1x2048xf32>, vector<1x2048xf32>, vector<1x2048xf32>, vector<1x2048xf32>, vector<1x2048xf32>, vector<1x2048xf32> -> vector<8x2048xf32>
    %swap3A_115 = arith.constant 0 : index
    %swap3A_116 = arith.constant 0 : index
    %swap3A_117 = arith.constant 0 : index
    %swap3A_118 = vector.load %arg5[%swap3A_115, %swap3A_116, %swap3A_117] : memref<1x8x2048xf32, #tpu.memory_space<vmem>>, vector<1x8x2048xf32>
    %swap3A_119 = vector.shape_cast %swap3A_118 : vector<1x8x2048xf32> to vector<8x2048xf32>
    %swap3A_120 = vector.shape_cast %concatenate3A_114 : vector<8x2048xf32> to vector<1x8x2048xf32>
    tpu.vector_store %arg5[%swap3A_115, %swap3A_116, %swap3A_117], %swap3A_120 {strides = array<i32>} : memref<1x8x2048xf32, #tpu.memory_space<vmem>>, vector<1x8x2048xf32>,
    %dot_general3A_121 = arith.constant dense<0.000000e+00> : vector<128x128xf32>
    %dot_general3A_122 = tpu.matmul %add3A_104, %add3A_104, %dot_general3A_121 {dimension_numbers = #tpu.dot_dimension_numbers<[1], [1], [0], [0], [0, 0, 1, 0], [], []>, transpose_lhs_hint = false} : vector<128x2048xf32>, vector<128x2048xf32>, vector<128x128xf32> -> vector<128x128xf32>
    %eq3A_123 = arith.constant 0 : i32
    %eq3A_124 = arith.cmpi eq, %arg1, %eq3A_123 : i32
    %convert_element_type3A = arith.extui %eq3A_124 : i1 to i32
    %cond3A = arith.constant 0 : i32
    %cond3A_125 = arith.cmpi ne, %convert_element_type3A, %cond3A : i32
    scf.if %cond3A_125 {
      %swap3A_130 = arith.constant 0 : index
      %swap3A_131 = arith.constant 0 : index
      %swap3A_132 = arith.constant 0 : index
      %swap3A_133 = vector.load %arg6[%swap3A_130, %swap3A_131, %swap3A_132] : memref<1x128x128xf32, #tpu.memory_space<vmem>>, vector<1x128x128xf32>
      %swap3A_134 = vector.shape_cast %swap3A_133 : vector<1x128x128xf32> to vector<128x128xf32>
      %swap3A_135 = vector.shape_cast %dot_general3A_122 : vector<128x128xf32> to vector<1x128x128xf32>
      tpu.vector_store %arg6[%swap3A_130, %swap3A_131, %swap3A_132], %swap3A_135 {strides = array<i32>} : memref<1x128x128xf32, #tpu.memory_space<vmem>>, vector<1x128x128xf32>,
    } else {
    }
    %ne3A = arith.constant 0 : i32
    %ne3A_126 = arith.cmpi ne, %arg1, %ne3A : i32
    %convert_element_type3A_127 = arith.extui %ne3A_126 : i1 to i32
    %cond3A_128 = arith.constant 0 : i32
    %cond3A_129 = arith.cmpi ne, %convert_element_type3A_127, %cond3A_128 : i32
    scf.if %cond3A_129 {
      %get3A_130 = arith.constant 0 : index
      %get3A_131 = arith.constant 0 : index
      %get3A_132 = arith.constant 0 : index
      %get3A_133 = vector.load %arg6[%get3A_130, %get3A_131, %get3A_132] : memref<1x128x128xf32, #tpu.memory_space<vmem>>, vector<1x128x128xf32>
      %get3A_134 = vector.shape_cast %get3A_133 : vector<1x128x128xf32> to vector<128x128xf32>
      %add3A_135 = arith.addf %get3A_134, %dot_general3A_122 : vector<128x128xf32>
      %swap3A_136 = arith.constant 0 : index
      %swap3A_137 = arith.constant 0 : index
      %swap3A_138 = arith.constant 0 : index
      %swap3A_139 = vector.load %arg6[%swap3A_136, %swap3A_137, %swap3A_138] : memref<1x128x128xf32, #tpu.memory_space<vmem>>, vector<1x128x128xf32>
      %swap3A_140 = vector.shape_cast %swap3A_139 : vector<1x128x128xf32> to vector<128x128xf32>
      %swap3A_141 = vector.shape_cast %add3A_135 : vector<128x128xf32> to vector<1x128x128xf32>
      tpu.vector_store %arg6[%swap3A_136, %swap3A_137, %swap3A_138], %swap3A_141 {strides = array<i32>} : memref<1x128x128xf32, #tpu.memory_space<vmem>>, vector<1x128x128xf32>,
    } else {
    }
    return
  }
  func.func @transform_0(%arg0: i32, %arg1: i32) -> (i32, i32, i32) {
    %c0_i32 = arith.constant 0 : i32
    %c0_i32_0 = arith.constant 0 : i32
    return %arg0, %arg1, %c0_i32 : i32, i32, i32
  }
  func.func @transform_1(%arg0: i32, %arg1: i32) -> (i32, i32, i32) {
    %c0_i32 = arith.constant 0 : i32
    %c0_i32_0 = arith.constant 0 : i32
    %c0_i32_1 = arith.constant 0 : i32
    return %arg0, %c0_i32, %c0_i32_0 : i32, i32, i32
  }
  func.func @transform_2(%arg0: i32, %arg1: i32) -> (i32, i32, i32) {
    %c0_i32 = arith.constant 0 : i32
    %c0_i32_0 = arith.constant 0 : i32
    return %arg0, %c0_i32, %arg1 : i32, i32, i32
  }
  func.func @transform_3(%arg0: i32, %arg1: i32) -> (i32, i32, i32) {
    %c0_i32 = arith.constant 0 : i32
    %c0_i32_0 = arith.constant 0 : i32
    return %arg0, %c0_i32, %arg1 : i32, i32, i32
  }
  func.func @transform_4(%arg0: i32, %arg1: i32) -> (i32, i32, i32) {
    %c0_i32 = arith.constant 0 : i32
    %c0_i32_0 = arith.constant 0 : i32
    %c0_i32_1 = arith.constant 0 : i32
    return %arg0, %c0_i32, %c0_i32_0 : i32, i32, i32
  }
}

module attributes {stable_mosaic.version = 14 : i64} {
  func.func @_k1a_body(%arg0: i32, %arg1: memref<2048x512xf32, #tpu.memory_space<vmem>>, %arg2: memref<2048x512xf32, #tpu.memory_space<vmem>>, %arg3: memref<2048x512xf32, #tpu.memory_space<vmem>>, %arg4: memref<512x512xf32, #tpu.memory_space<vmem>>, %arg5: memref<512x512xf32, #tpu.memory_space<vmem>>, %arg6: memref<512x512xf32, #tpu.memory_space<vmem>>, %arg7: memref<1x512xf32, #tpu.memory_space<vmem>>, %arg8: memref<2048x512xf32, #tpu.memory_space<vmem>>, %arg9: memref<2048x256xi32, #tpu.memory_space<vmem>>) attributes {dimension_semantics = [#tpu.dimension_semantics<arbitrary>], iteration_bounds = array<i64: 1>, scalar_prefetch = 0 : i64, scratch_operands = 0 : i64, tpu.core_type = #tpu.core_type<tc>, window_params = [{transform_indices = @transform_0, window_bounds = array<i64: 2048, 512>}, {transform_indices = @transform_1, window_bounds = array<i64: 2048, 512>}, {transform_indices = @transform_2, window_bounds = array<i64: 2048, 512>}, {pipeline_mode = #tpu.pipeline_mode<synchronous>, transform_indices = @transform_3, window_bounds = array<i64: 512, 512>}, {pipeline_mode = #tpu.pipeline_mode<synchronous>, transform_indices = @transform_4, window_bounds = array<i64: 512, 512>}, {pipeline_mode = #tpu.pipeline_mode<synchronous>, transform_indices = @transform_5, window_bounds = array<i64: 512, 512>}, {pipeline_mode = #tpu.pipeline_mode<synchronous>, transform_indices = @transform_6, window_bounds = array<i64: 1, 512>}, {transform_indices = @transform_7, window_bounds = array<i64: 2048, 512>}, {transform_indices = @transform_8, window_bounds = array<i64: 2048, 256>}]} {
    %get3A = arith.constant 0 : index
    %get3A_0 = arith.constant 0 : index
    %get3A_1 = vector.load %arg1[%get3A, %get3A_0] : memref<2048x512xf32, #tpu.memory_space<vmem>>, vector<2048x512xf32>
    %get3A_2 = arith.constant 0 : index
    %get3A_3 = arith.constant 0 : index
    %get3A_4 = vector.load %arg4[%get3A_2, %get3A_3] : memref<512x512xf32, #tpu.memory_space<vmem>>, vector<512x512xf32>
    %dot_general3A = arith.constant dense<0.000000e+00> : vector<2048x512xf32>
    %dot_general3A_5 = tpu.matmul %get3A_1, %get3A_4, %dot_general3A {dimension_numbers = #tpu.dot_dimension_numbers<[1], [1], [0], [0], [0, 0, 1, 0], [], []>, transpose_lhs_hint = false} : vector<2048x512xf32>, vector<512x512xf32>, vector<2048x512xf32> -> vector<2048x512xf32>
    %get3A_6 = arith.constant 0 : index
    %get3A_7 = arith.constant 0 : index
    %get3A_8 = vector.load %arg2[%get3A_6, %get3A_7] : memref<2048x512xf32, #tpu.memory_space<vmem>>, vector<2048x512xf32>
    %get3A_9 = arith.constant 0 : index
    %get3A_10 = arith.constant 0 : index
    %get3A_11 = vector.load %arg5[%get3A_9, %get3A_10] : memref<512x512xf32, #tpu.memory_space<vmem>>, vector<512x512xf32>
    %dot_general3A_12 = arith.constant dense<0.000000e+00> : vector<2048x512xf32>
    %dot_general3A_13 = tpu.matmul %get3A_8, %get3A_11, %dot_general3A_12 {dimension_numbers = #tpu.dot_dimension_numbers<[1], [1], [0], [0], [0, 0, 1, 0], [], []>, transpose_lhs_hint = false} : vector<2048x512xf32>, vector<512x512xf32>, vector<2048x512xf32> -> vector<2048x512xf32>
    %add3A = arith.addf %dot_general3A_5, %dot_general3A_13 : vector<2048x512xf32>
    %get3A_14 = arith.constant 0 : index
    %get3A_15 = arith.constant 0 : index
    %get3A_16 = vector.load %arg3[%get3A_14, %get3A_15] : memref<2048x512xf32, #tpu.memory_space<vmem>>, vector<2048x512xf32>
    %get3A_17 = arith.constant 0 : index
    %get3A_18 = arith.constant 0 : index
    %get3A_19 = vector.load %arg6[%get3A_17, %get3A_18] : memref<512x512xf32, #tpu.memory_space<vmem>>, vector<512x512xf32>
    %dot_general3A_20 = arith.constant dense<0.000000e+00> : vector<2048x512xf32>
    %dot_general3A_21 = tpu.matmul %get3A_16, %get3A_19, %dot_general3A_20 {dimension_numbers = #tpu.dot_dimension_numbers<[1], [1], [0], [0], [0, 0, 1, 0], [], []>, transpose_lhs_hint = false} : vector<2048x512xf32>, vector<512x512xf32>, vector<2048x512xf32> -> vector<2048x512xf32>
    %add3A_22 = arith.addf %add3A, %dot_general3A_21 : vector<2048x512xf32>
    %get3A_23 = arith.constant 0 : index
    %get3A_24 = arith.constant 0 : index
    %get3A_25 = vector.load %arg7[%get3A_23, %get3A_24] : memref<1x512xf32, #tpu.memory_space<vmem>>, vector<1x512xf32>
    %add3A_26 = vector.broadcast %get3A_25 : vector<1x512xf32> to vector<2048x512xf32>
    %add3A_27 = arith.addf %add3A_22, %add3A_26 : vector<2048x512xf32>
    %swap3A = arith.constant 0 : index
    %swap3A_28 = arith.constant 0 : index
    %swap3A_29 = vector.load %arg8[%swap3A, %swap3A_28] : memref<2048x512xf32, #tpu.memory_space<vmem>>, vector<2048x512xf32>
    tpu.vector_store %arg8[%swap3A, %swap3A_28], %add3A_27 {strides = array<i32>} : memref<2048x512xf32, #tpu.memory_space<vmem>>, vector<2048x512xf32>,
    %slice3A = vector.extract_strided_slice %add3A_27 {offsets = [0, 0], sizes = [2048, 256], strides = [1, 1]} : vector<2048x512xf32> to vector<2048x256xf32>
    %bitcast_convert_type3A = tpu.bitcast %slice3A : vector<2048x256xf32> -> vector<2048x256xi32>
    %slice3A_30 = vector.extract_strided_slice %add3A_27 {offsets = [0, 256], sizes = [2048, 256], strides = [1, 1]} : vector<2048x512xf32> to vector<2048x256xf32>
    %bitcast_convert_type3A_31 = tpu.bitcast %slice3A_30 : vector<2048x256xf32> -> vector<2048x256xi32>
    %add3A_32 = arith.constant 32767 : i32
    %add3A_33 = vector.broadcast %add3A_32 : i32 to vector<2048x256xi32>
    %add3A_34 = arith.addi %bitcast_convert_type3A, %add3A_33 : vector<2048x256xi32>
    %shift_right_logical3A = arith.constant 16 : i32
    %shift_right_logical3A_35 = vector.broadcast %shift_right_logical3A : i32 to vector<2048x256xi32>
    %shift_right_logical3A_36 = arith.shrui %bitcast_convert_type3A, %shift_right_logical3A_35 : vector<2048x256xi32>
    %and3A = arith.constant 1 : i32
    %and3A_37 = vector.broadcast %and3A : i32 to vector<2048x256xi32>
    %and3A_38 = arith.andi %shift_right_logical3A_36, %and3A_37 : vector<2048x256xi32>
    %add3A_39 = arith.addi %add3A_34, %and3A_38 : vector<2048x256xi32>
    %add3A_40 = arith.constant 32767 : i32
    %add3A_41 = vector.broadcast %add3A_40 : i32 to vector<2048x256xi32>
    %add3A_42 = arith.addi %bitcast_convert_type3A_31, %add3A_41 : vector<2048x256xi32>
    %shift_right_logical3A_43 = arith.constant 16 : i32
    %shift_right_logical3A_44 = vector.broadcast %shift_right_logical3A_43 : i32 to vector<2048x256xi32>
    %shift_right_logical3A_45 = arith.shrui %bitcast_convert_type3A_31, %shift_right_logical3A_44 : vector<2048x256xi32>
    %and3A_46 = arith.constant 1 : i32
    %and3A_47 = vector.broadcast %and3A_46 : i32 to vector<2048x256xi32>
    %and3A_48 = arith.andi %shift_right_logical3A_45, %and3A_47 : vector<2048x256xi32>
    %add3A_49 = arith.addi %add3A_42, %and3A_48 : vector<2048x256xi32>
    %shift_right_logical3A_50 = arith.constant 16 : i32
    %shift_right_logical3A_51 = vector.broadcast %shift_right_logical3A_50 : i32 to vector<2048x256xi32>
    %shift_right_logical3A_52 = arith.shrui %add3A_39, %shift_right_logical3A_51 : vector<2048x256xi32>
    %and3A_53 = arith.constant -65536 : i32
    %and3A_54 = vector.broadcast %and3A_53 : i32 to vector<2048x256xi32>
    %and3A_55 = arith.andi %add3A_49, %and3A_54 : vector<2048x256xi32>
    %or3A = arith.ori %shift_right_logical3A_52, %and3A_55 : vector<2048x256xi32>
    %bitcast_convert_type3A_56 = tpu.bitcast %or3A : vector<2048x256xi32> -> vector<2048x256xi32>
    %swap3A_57 = arith.constant 0 : index
    %swap3A_58 = arith.constant 0 : index
    %swap3A_59 = vector.load %arg9[%swap3A_57, %swap3A_58] : memref<2048x256xi32, #tpu.memory_space<vmem>>, vector<2048x256xi32>
    tpu.vector_store %arg9[%swap3A_57, %swap3A_58], %bitcast_convert_type3A_56 {strides = array<i32>} : memref<2048x256xi32, #tpu.memory_space<vmem>>, vector<2048x256xi32>,
    return
  }
  func.func @transform_0(%arg0: i32) -> (i32, i32) {
    %c0_i32 = arith.constant 0 : i32
    %c0_i32_0 = arith.constant 0 : i32
    return %arg0, %c0_i32 : i32, i32
  }
  func.func @transform_1(%arg0: i32) -> (i32, i32) {
    %c0_i32 = arith.constant 0 : i32
    %c0_i32_0 = arith.constant 0 : i32
    return %arg0, %c0_i32 : i32, i32
  }
  func.func @transform_2(%arg0: i32) -> (i32, i32) {
    %c0_i32 = arith.constant 0 : i32
    %c0_i32_0 = arith.constant 0 : i32
    return %arg0, %c0_i32 : i32, i32
  }
  func.func @transform_3(%arg0: i32) -> (i32, i32) {
    %c0_i32 = arith.constant 0 : i32
    %c0_i32_0 = arith.constant 0 : i32
    %c0_i32_1 = arith.constant 0 : i32
    return %c0_i32, %c0_i32_0 : i32, i32
  }
  func.func @transform_4(%arg0: i32) -> (i32, i32) {
    %c0_i32 = arith.constant 0 : i32
    %c0_i32_0 = arith.constant 0 : i32
    %c0_i32_1 = arith.constant 0 : i32
    return %c0_i32, %c0_i32_0 : i32, i32
  }
  func.func @transform_5(%arg0: i32) -> (i32, i32) {
    %c0_i32 = arith.constant 0 : i32
    %c0_i32_0 = arith.constant 0 : i32
    %c0_i32_1 = arith.constant 0 : i32
    return %c0_i32, %c0_i32_0 : i32, i32
  }
  func.func @transform_6(%arg0: i32) -> (i32, i32) {
    %c0_i32 = arith.constant 0 : i32
    %c0_i32_0 = arith.constant 0 : i32
    %c0_i32_1 = arith.constant 0 : i32
    return %c0_i32, %c0_i32_0 : i32, i32
  }
  func.func @transform_7(%arg0: i32) -> (i32, i32) {
    %c0_i32 = arith.constant 0 : i32
    %c0_i32_0 = arith.constant 0 : i32
    return %arg0, %c0_i32 : i32, i32
  }
  func.func @transform_8(%arg0: i32) -> (i32, i32) {
    %c0_i32 = arith.constant 0 : i32
    %c0_i32_0 = arith.constant 0 : i32
    return %arg0, %c0_i32 : i32, i32
  }
}

module attributes {stable_mosaic.version = 14 : i64} {
  func.func @_k1c_body(%arg0: i32, %arg1: memref<1x128x128xf32, #tpu.memory_space<vmem>>, %arg2: memref<1x128x512xf32, #tpu.memory_space<vmem>>, %arg3: memref<1x512xf32, #tpu.memory_space<vmem>>, %arg4: memref<1x512xf32, #tpu.memory_space<vmem>>) attributes {dimension_semantics = [#tpu.dimension_semantics<arbitrary>], iteration_bounds = array<i64: 16>, scalar_prefetch = 0 : i64, scratch_operands = 0 : i64, tpu.core_type = #tpu.core_type<tc>, window_params = [{transform_indices = @transform_0, window_bounds = array<i64: 1, 128, 128>}, {transform_indices = @transform_1, window_bounds = array<i64: 1, 128, 512>}, {pipeline_mode = #tpu.pipeline_mode<synchronous>, transform_indices = @transform_2, window_bounds = array<i64: 1, 512>}, {pipeline_mode = #tpu.pipeline_mode<synchronous>, transform_indices = @transform_3, window_bounds = array<i64: 1, 512>}]} {
    %get3A = arith.constant 0 : index
    %get3A_0 = arith.constant 0 : index
    %get3A_1 = arith.constant 0 : index
    %get3A_2 = vector.load %arg1[%get3A, %get3A_0, %get3A_1] : memref<1x128x128xf32, #tpu.memory_space<vmem>>, vector<1x128x128xf32>
    %get3A_3 = vector.shape_cast %get3A_2 : vector<1x128x128xf32> to vector<128x128xf32>
    %get3A_4 = arith.constant 0 : index
    %get3A_5 = arith.constant 0 : index
    %get3A_6 = arith.constant 0 : index
    %get3A_7 = vector.load %arg2[%get3A_4, %get3A_5, %get3A_6] : memref<1x128x512xf32, #tpu.memory_space<vmem>>, vector<1x128x512xf32>
    %get3A_8 = vector.shape_cast %get3A_7 : vector<1x128x512xf32> to vector<128x512xf32>
    %reduce_sum3A = arith.constant dense<0.000000e+00> : vector<128xf32>
    %reduce_sum3A_9 = vector.multi_reduction <add>, %get3A_3, %reduce_sum3A [0] : vector<128x128xf32> to vector<128xf32>
    %broadcast_in_dim3A = vector.shape_cast %reduce_sum3A_9 : vector<128xf32> to vector<1x128xf32>
    %dot_general3A = arith.constant dense<0.000000e+00> : vector<1x512xf32>
    %dot_general3A_10 = tpu.matmul %broadcast_in_dim3A, %get3A_8, %dot_general3A {dimension_numbers = #tpu.dot_dimension_numbers<[1], [0], [0], [1], [0, 0, 1, 1], [], []>, transpose_lhs_hint = false} : vector<1x128xf32>, vector<128x512xf32>, vector<1x512xf32> -> vector<1x512xf32>
    %dot_general3A_11 = arith.constant dense<0.000000e+00> : vector<128x512xf32>
    %dot_general3A_12 = tpu.matmul %get3A_3, %get3A_8, %dot_general3A_11 {dimension_numbers = #tpu.dot_dimension_numbers<[1], [0], [0], [1], [0, 0, 1, 1], [], []>, transpose_lhs_hint = false} : vector<128x128xf32>, vector<128x512xf32>, vector<128x512xf32> -> vector<128x512xf32>
    %mul3A = arith.mulf %dot_general3A_12, %get3A_8 : vector<128x512xf32>
    %reduce_sum3A_13 = arith.constant dense<0.000000e+00> : vector<512xf32>
    %reduce_sum3A_14 = vector.multi_reduction <add>, %mul3A, %reduce_sum3A_13 [0] : vector<128x512xf32> to vector<512xf32>
    %broadcast_in_dim3A_15 = vector.shape_cast %reduce_sum3A_14 : vector<512xf32> to vector<1x512xf32>
    %eq3A = arith.constant 0 : i32
    %eq3A_16 = arith.cmpi eq, %arg0, %eq3A : i32
    %convert_element_type3A = arith.extui %eq3A_16 : i1 to i32
    %cond3A = arith.constant 0 : i32
    %cond3A_17 = arith.cmpi ne, %convert_element_type3A, %cond3A : i32
    scf.if %cond3A_17 {
      %swap3A = arith.constant 0 : index
      %swap3A_22 = arith.constant 0 : index
      %swap3A_23 = vector.load %arg3[%swap3A, %swap3A_22] : memref<1x512xf32, #tpu.memory_space<vmem>>, vector<1x512xf32>
      tpu.vector_store %arg3[%swap3A, %swap3A_22], %dot_general3A_10 {strides = array<i32>} : memref<1x512xf32, #tpu.memory_space<vmem>>, vector<1x512xf32>,
      %swap3A_24 = arith.constant 0 : index
      %swap3A_25 = arith.constant 0 : index
      %swap3A_26 = vector.load %arg4[%swap3A_24, %swap3A_25] : memref<1x512xf32, #tpu.memory_space<vmem>>, vector<1x512xf32>
      tpu.vector_store %arg4[%swap3A_24, %swap3A_25], %broadcast_in_dim3A_15 {strides = array<i32>} : memref<1x512xf32, #tpu.memory_space<vmem>>, vector<1x512xf32>,
    } else {
    }
    %ne3A = arith.constant 0 : i32
    %ne3A_18 = arith.cmpi ne, %arg0, %ne3A : i32
    %convert_element_type3A_19 = arith.extui %ne3A_18 : i1 to i32
    %cond3A_20 = arith.constant 0 : i32
    %cond3A_21 = arith.cmpi ne, %convert_element_type3A_19, %cond3A_20 : i32
    scf.if %cond3A_21 {
      %get3A_22 = arith.constant 0 : index
      %get3A_23 = arith.constant 0 : index
      %get3A_24 = vector.load %arg3[%get3A_22, %get3A_23] : memref<1x512xf32, #tpu.memory_space<vmem>>, vector<1x512xf32>
      %add3A = arith.addf %get3A_24, %dot_general3A_10 : vector<1x512xf32>
      %swap3A = arith.constant 0 : index
      %swap3A_25 = arith.constant 0 : index
      %swap3A_26 = vector.load %arg3[%swap3A, %swap3A_25] : memref<1x512xf32, #tpu.memory_space<vmem>>, vector<1x512xf32>
      tpu.vector_store %arg3[%swap3A, %swap3A_25], %add3A {strides = array<i32>} : memref<1x512xf32, #tpu.memory_space<vmem>>, vector<1x512xf32>,
      %get3A_27 = arith.constant 0 : index
      %get3A_28 = arith.constant 0 : index
      %get3A_29 = vector.load %arg4[%get3A_27, %get3A_28] : memref<1x512xf32, #tpu.memory_space<vmem>>, vector<1x512xf32>
      %add3A_30 = arith.addf %get3A_29, %broadcast_in_dim3A_15 : vector<1x512xf32>
      %swap3A_31 = arith.constant 0 : index
      %swap3A_32 = arith.constant 0 : index
      %swap3A_33 = vector.load %arg4[%swap3A_31, %swap3A_32] : memref<1x512xf32, #tpu.memory_space<vmem>>, vector<1x512xf32>
      tpu.vector_store %arg4[%swap3A_31, %swap3A_32], %add3A_30 {strides = array<i32>} : memref<1x512xf32, #tpu.memory_space<vmem>>, vector<1x512xf32>,
    } else {
    }
    return
  }
  func.func @transform_0(%arg0: i32) -> (i32, i32, i32) {
    %c0_i32 = arith.constant 0 : i32
    %c0_i32_0 = arith.constant 0 : i32
    %c0_i32_1 = arith.constant 0 : i32
    return %arg0, %c0_i32, %c0_i32_0 : i32, i32, i32
  }
  func.func @transform_1(%arg0: i32) -> (i32, i32, i32) {
    %c0_i32 = arith.constant 0 : i32
    %c0_i32_0 = arith.constant 0 : i32
    %c0_i32_1 = arith.constant 0 : i32
    return %arg0, %c0_i32, %c0_i32_0 : i32, i32, i32
  }
  func.func @transform_2(%arg0: i32) -> (i32, i32) {
    %c0_i32 = arith.constant 0 : i32
    %c0_i32_0 = arith.constant 0 : i32
    %c0_i32_1 = arith.constant 0 : i32
    return %c0_i32, %c0_i32_0 : i32, i32
  }
  func.func @transform_3(%arg0: i32) -> (i32, i32) {
    %c0_i32 = arith.constant 0 : i32
    %c0_i32_0 = arith.constant 0 : i32
    %c0_i32_1 = arith.constant 0 : i32
    return %c0_i32, %c0_i32_0 : i32, i32
  }
}

module attributes {stable_mosaic.version = 14 : i64} {
  func.func @_k2_body(%arg0: i32, %arg1: memref<4096x256xi32, #tpu.memory_space<vmem>>, %arg2: memref<1x512xf32, #tpu.memory_space<vmem>>, %arg3: memref<1x512xf32, #tpu.memory_space<vmem>>, %arg4: memref<1x512xf32, #tpu.memory_space<vmem>>, %arg5: memref<1x512xf32, #tpu.memory_space<vmem>>, %arg6: memref<512x512xf32, #tpu.memory_space<vmem>>, %arg7: memref<1x512xf32, #tpu.memory_space<vmem>>) attributes {dimension_semantics = [#tpu.dimension_semantics<arbitrary>], iteration_bounds = array<i64: 8>, scalar_prefetch = 0 : i64, scratch_operands = 0 : i64, tpu.core_type = #tpu.core_type<tc>, window_params = [{transform_indices = @transform_0, window_bounds = array<i64: 4096, 256>}, {pipeline_mode = #tpu.pipeline_mode<synchronous>, transform_indices = @transform_1, window_bounds = array<i64: 1, 512>}, {pipeline_mode = #tpu.pipeline_mode<synchronous>, transform_indices = @transform_2, window_bounds = array<i64: 1, 512>}, {pipeline_mode = #tpu.pipeline_mode<synchronous>, transform_indices = @transform_3, window_bounds = array<i64: 1, 512>}, {pipeline_mode = #tpu.pipeline_mode<synchronous>, transform_indices = @transform_4, window_bounds = array<i64: 1, 512>}, {pipeline_mode = #tpu.pipeline_mode<synchronous>, transform_indices = @transform_5, window_bounds = array<i64: 512, 512>}, {pipeline_mode = #tpu.pipeline_mode<synchronous>, transform_indices = @transform_6, window_bounds = array<i64: 1, 512>}]} {
    %get3A = arith.constant 0 : index
    %get3A_0 = arith.constant 0 : index
    %get3A_1 = vector.load %arg2[%get3A, %get3A_0] : memref<1x512xf32, #tpu.memory_space<vmem>>, vector<1x512xf32>
    %get3A_2 = arith.constant 0 : index
    %get3A_3 = arith.constant 0 : index
    %get3A_4 = vector.load %arg3[%get3A_2, %get3A_3] : memref<1x512xf32, #tpu.memory_space<vmem>>, vector<1x512xf32>
    %get3A_5 = arith.constant 0 : index
    %get3A_6 = arith.constant 0 : index
    %get3A_7 = vector.load %arg4[%get3A_5, %get3A_6] : memref<1x512xf32, #tpu.memory_space<vmem>>, vector<1x512xf32>
    %get3A_8 = arith.constant 0 : index
    %get3A_9 = arith.constant 0 : index
    %get3A_10 = vector.load %arg5[%get3A_8, %get3A_9] : memref<1x512xf32, #tpu.memory_space<vmem>>, vector<1x512xf32>
    %mul3A = arith.constant 3.05175781E-5 : f32
    %mul3A_11 = vector.broadcast %mul3A : f32 to vector<1x512xf32>
    %mul3A_12 = arith.mulf %get3A_1, %mul3A_11 : vector<1x512xf32>
    %mul3A_13 = arith.constant 3.05175781E-5 : f32
    %mul3A_14 = vector.broadcast %mul3A_13 : f32 to vector<1x512xf32>
    %mul3A_15 = arith.mulf %get3A_4, %mul3A_14 : vector<1x512xf32>
    %mul3A_16 = arith.mulf %mul3A_12, %mul3A_12 : vector<1x512xf32>
    %sub3A = arith.subf %mul3A_15, %mul3A_16 : vector<1x512xf32>
    %add3A = arith.constant 9.99999974E-6 : f32
    %add3A_17 = vector.broadcast %add3A : f32 to vector<1x512xf32>
    %add3A_18 = arith.addf %sub3A, %add3A_17 : vector<1x512xf32>
    %rsqrt3A = math.rsqrt %add3A_18 : vector<1x512xf32>
    %mul3A_19 = arith.mulf %get3A_7, %rsqrt3A : vector<1x512xf32>
    %mul3A_20 = arith.mulf %mul3A_12, %mul3A_19 : vector<1x512xf32>
    %sub3A_21 = arith.subf %get3A_10, %mul3A_20 : vector<1x512xf32>
    %get3A_22 = arith.constant 0 : index
    %get3A_23 = arith.constant 0 : index
    %get3A_24 = vector.load %arg1[%get3A_22, %get3A_23] : memref<4096x256xi32, #tpu.memory_space<vmem>>, vector<4096x256xi32>
    %shift_left3A = arith.constant 16 : i32
    %shift_left3A_25 = vector.broadcast %shift_left3A : i32 to vector<4096x256xi32>
    %shift_left3A_26 = arith.shli %get3A_24, %shift_left3A_25 : vector<4096x256xi32>
    %bitcast_convert_type3A = tpu.bitcast %shift_left3A_26 : vector<4096x256xi32> -> vector<4096x256xf32>
    %and3A = arith.constant -65536 : i32
    %and3A_27 = vector.broadcast %and3A : i32 to vector<4096x256xi32>
    %and3A_28 = arith.andi %get3A_24, %and3A_27 : vector<4096x256xi32>
    %bitcast_convert_type3A_29 = tpu.bitcast %and3A_28 : vector<4096x256xi32> -> vector<4096x256xf32>
    %concatenate3A = tpu.concatenate %bitcast_convert_type3A, %bitcast_convert_type3A_29 in 1 : vector<4096x256xf32>, vector<4096x256xf32> -> vector<4096x512xf32>
    %mul3A_30 = vector.broadcast %mul3A_19 : vector<1x512xf32> to vector<4096x512xf32>
    %mul3A_31 = arith.mulf %concatenate3A, %mul3A_30 : vector<4096x512xf32>
    %add3A_32 = vector.broadcast %sub3A_21 : vector<1x512xf32> to vector<4096x512xf32>
    %add3A_33 = arith.addf %mul3A_31, %add3A_32 : vector<4096x512xf32>
    %max3A = arith.constant 0.000000e+00 : f32
    %max3A_34 = vector.broadcast %max3A : f32 to vector<4096x512xf32>
    %max3A_35 = arith.maximumf %add3A_33, %max3A_34 : vector<4096x512xf32>
    %dot_general3A = arith.constant dense<0.000000e+00> : vector<512x512xf32>
    %dot_general3A_36 = tpu.matmul %max3A_35, %max3A_35, %dot_general3A {dimension_numbers = #tpu.dot_dimension_numbers<[0], [0], [1], [1], [0, 1, 1, 1], [], []>, transpose_lhs_hint = false} : vector<4096x512xf32>, vector<4096x512xf32>, vector<512x512xf32> -> vector<512x512xf32>
    %reduce_sum3A = arith.constant dense<0.000000e+00> : vector<512xf32>
    %reduce_sum3A_37 = vector.multi_reduction <add>, %max3A_35, %reduce_sum3A [0] : vector<4096x512xf32> to vector<512xf32>
    %broadcast_in_dim3A = vector.shape_cast %reduce_sum3A_37 : vector<512xf32> to vector<1x512xf32>
    %eq3A = arith.constant 0 : i32
    %eq3A_38 = arith.cmpi eq, %arg0, %eq3A : i32
    %convert_element_type3A = arith.extui %eq3A_38 : i1 to i32
    %cond3A = arith.constant 0 : i32
    %cond3A_39 = arith.cmpi ne, %convert_element_type3A, %cond3A : i32
    scf.if %cond3A_39 {
      %swap3A = arith.constant 0 : index
      %swap3A_44 = arith.constant 0 : index
      %swap3A_45 = vector.load %arg6[%swap3A, %swap3A_44] : memref<512x512xf32, #tpu.memory_space<vmem>>, vector<512x512xf32>
      tpu.vector_store %arg6[%swap3A, %swap3A_44], %dot_general3A_36 {strides = array<i32>} : memref<512x512xf32, #tpu.memory_space<vmem>>, vector<512x512xf32>,
      %swap3A_46 = arith.constant 0 : index
      %swap3A_47 = arith.constant 0 : index
      %swap3A_48 = vector.load %arg7[%swap3A_46, %swap3A_47] : memref<1x512xf32, #tpu.memory_space<vmem>>, vector<1x512xf32>
      tpu.vector_store %arg7[%swap3A_46, %swap3A_47], %broadcast_in_dim3A {strides = array<i32>} : memref<1x512xf32, #tpu.memory_space<vmem>>, vector<1x512xf32>,
    } else {
    }
    %ne3A = arith.constant 0 : i32
    %ne3A_40 = arith.cmpi ne, %arg0, %ne3A : i32
    %convert_element_type3A_41 = arith.extui %ne3A_40 : i1 to i32
    %cond3A_42 = arith.constant 0 : i32
    %cond3A_43 = arith.cmpi ne, %convert_element_type3A_41, %cond3A_42 : i32
    scf.if %cond3A_43 {
      %get3A_44 = arith.constant 0 : index
      %get3A_45 = arith.constant 0 : index
      %get3A_46 = vector.load %arg6[%get3A_44, %get3A_45] : memref<512x512xf32, #tpu.memory_space<vmem>>, vector<512x512xf32>
      %add3A_47 = arith.addf %get3A_46, %dot_general3A_36 : vector<512x512xf32>
      %swap3A = arith.constant 0 : index
      %swap3A_48 = arith.constant 0 : index
      %swap3A_49 = vector.load %arg6[%swap3A, %swap3A_48] : memref<512x512xf32, #tpu.memory_space<vmem>>, vector<512x512xf32>
      tpu.vector_store %arg6[%swap3A, %swap3A_48], %add3A_47 {strides = array<i32>} : memref<512x512xf32, #tpu.memory_space<vmem>>, vector<512x512xf32>,
      %get3A_50 = arith.constant 0 : index
      %get3A_51 = arith.constant 0 : index
      %get3A_52 = vector.load %arg7[%get3A_50, %get3A_51] : memref<1x512xf32, #tpu.memory_space<vmem>>, vector<1x512xf32>
      %add3A_53 = arith.addf %get3A_52, %broadcast_in_dim3A : vector<1x512xf32>
      %swap3A_54 = arith.constant 0 : index
      %swap3A_55 = arith.constant 0 : index
      %swap3A_56 = vector.load %arg7[%swap3A_54, %swap3A_55] : memref<1x512xf32, #tpu.memory_space<vmem>>, vector<1x512xf32>
      tpu.vector_store %arg7[%swap3A_54, %swap3A_55], %add3A_53 {strides = array<i32>} : memref<1x512xf32, #tpu.memory_space<vmem>>, vector<1x512xf32>,
    } else {
    }
    return
  }
  func.func @transform_0(%arg0: i32) -> (i32, i32) {
    %c0_i32 = arith.constant 0 : i32
    %c0_i32_0 = arith.constant 0 : i32
    return %arg0, %c0_i32 : i32, i32
  }
  func.func @transform_1(%arg0: i32) -> (i32, i32) {
    %c0_i32 = arith.constant 0 : i32
    %c0_i32_0 = arith.constant 0 : i32
    %c0_i32_1 = arith.constant 0 : i32
    return %c0_i32, %c0_i32_0 : i32, i32
  }
  func.func @transform_2(%arg0: i32) -> (i32, i32) {
    %c0_i32 = arith.constant 0 : i32
    %c0_i32_0 = arith.constant 0 : i32
    %c0_i32_1 = arith.constant 0 : i32
    return %c0_i32, %c0_i32_0 : i32, i32
  }
  func.func @transform_3(%arg0: i32) -> (i32, i32) {
    %c0_i32 = arith.constant 0 : i32
    %c0_i32_0 = arith.constant 0 : i32
    %c0_i32_1 = arith.constant 0 : i32
    return %c0_i32, %c0_i32_0 : i32, i32
  }
  func.func @transform_4(%arg0: i32) -> (i32, i32) {
    %c0_i32 = arith.constant 0 : i32
    %c0_i32_0 = arith.constant 0 : i32
    %c0_i32_1 = arith.constant 0 : i32
    return %c0_i32, %c0_i32_0 : i32, i32
  }
  func.func @transform_5(%arg0: i32) -> (i32, i32) {
    %c0_i32 = arith.constant 0 : i32
    %c0_i32_0 = arith.constant 0 : i32
    %c0_i32_1 = arith.constant 0 : i32
    return %c0_i32, %c0_i32_0 : i32, i32
  }
  func.func @transform_6(%arg0: i32) -> (i32, i32) {
    %c0_i32 = arith.constant 0 : i32
    %c0_i32_0 = arith.constant 0 : i32
    %c0_i32_1 = arith.constant 0 : i32
    return %c0_i32, %c0_i32_0 : i32, i32
  }
}

module attributes {stable_mosaic.version = 14 : i64} {
  func.func @_kst_body(%arg0: memref<512x512xf32, #tpu.memory_space<vmem>>, %arg1: memref<1x512xf32, #tpu.memory_space<vmem>>, %arg2: memref<512x512xf32, #tpu.memory_space<vmem>>, %arg3: memref<1x512xf32, #tpu.memory_space<vmem>>, %arg4: memref<1x512xf32, #tpu.memory_space<vmem>>, %arg5: memref<1x512xf32, #tpu.memory_space<vmem>>, %arg6: memref<1x512xf32, #tpu.memory_space<vmem>>, %arg7: memref<1x512xf32, #tpu.memory_space<vmem>>) attributes {dimension_semantics = [], scalar_prefetch = 0 : i64, scratch_operands = 0 : i64, tpu.core_type = #tpu.core_type<tc>} {
    %get3A = arith.constant 0 : index
    %get3A_0 = arith.constant 0 : index
    %get3A_1 = vector.load %arg1[%get3A, %get3A_0] : memref<1x512xf32, #tpu.memory_space<vmem>>, vector<1x512xf32>
    %get3A_2 = arith.constant 0 : index
    %get3A_3 = arith.constant 0 : index
    %get3A_4 = vector.load %arg2[%get3A_2, %get3A_3] : memref<512x512xf32, #tpu.memory_space<vmem>>, vector<512x512xf32>
    %dot_general3A = arith.constant dense<0.000000e+00> : vector<1x512xf32>
    %dot_general3A_5 = tpu.matmul %get3A_1, %get3A_4, %dot_general3A {dimension_numbers = #tpu.dot_dimension_numbers<[1], [0], [0], [1], [0, 0, 1, 1], [], []>, transpose_lhs_hint = false} : vector<1x512xf32>, vector<512x512xf32>, vector<1x512xf32> -> vector<1x512xf32>
    %get3A_6 = arith.constant 0 : index
    %get3A_7 = arith.constant 0 : index
    %get3A_8 = vector.load %arg0[%get3A_6, %get3A_7] : memref<512x512xf32, #tpu.memory_space<vmem>>, vector<512x512xf32>
    %get3A_9 = arith.constant 0 : index
    %get3A_10 = arith.constant 0 : index
    %get3A_11 = vector.load %arg2[%get3A_9, %get3A_10] : memref<512x512xf32, #tpu.memory_space<vmem>>, vector<512x512xf32>
    %dot_general3A_12 = arith.constant dense<0.000000e+00> : vector<512x512xf32>
    %dot_general3A_13 = tpu.matmul %get3A_8, %get3A_11, %dot_general3A_12 {dimension_numbers = #tpu.dot_dimension_numbers<[1], [0], [0], [1], [0, 0, 1, 1], [], []>, transpose_lhs_hint = false} : vector<512x512xf32>, vector<512x512xf32>, vector<512x512xf32> -> vector<512x512xf32>
    %get3A_14 = arith.constant 0 : index
    %get3A_15 = arith.constant 0 : index
    %get3A_16 = vector.load %arg2[%get3A_14, %get3A_15] : memref<512x512xf32, #tpu.memory_space<vmem>>, vector<512x512xf32>
    %mul3A = arith.mulf %get3A_16, %dot_general3A_13 : vector<512x512xf32>
    %reduce_sum3A = arith.constant dense<0.000000e+00> : vector<512xf32>
    %reduce_sum3A_17 = vector.multi_reduction <add>, %mul3A, %reduce_sum3A [0] : vector<512x512xf32> to vector<512xf32>
    %broadcast_in_dim3A = vector.shape_cast %reduce_sum3A_17 : vector<512xf32> to vector<1x512xf32>
    %get3A_18 = arith.constant 0 : index
    %get3A_19 = arith.constant 0 : index
    %get3A_20 = vector.load %arg3[%get3A_18, %get3A_19] : memref<1x512xf32, #tpu.memory_space<vmem>>, vector<1x512xf32>
    %mul3A_21 = arith.constant 3.276800e+04 : f32
    %mul3A_22 = vector.broadcast %mul3A_21 : f32 to vector<1x512xf32>
    %mul3A_23 = arith.mulf %mul3A_22, %get3A_20 : vector<1x512xf32>
    %add3A = arith.addf %dot_general3A_5, %mul3A_23 : vector<1x512xf32>
    %mul3A_24 = arith.constant 2.000000e+00 : f32
    %mul3A_25 = vector.broadcast %mul3A_24 : f32 to vector<1x512xf32>
    %mul3A_26 = arith.mulf %mul3A_25, %get3A_20 : vector<1x512xf32>
    %mul3A_27 = arith.mulf %mul3A_26, %dot_general3A_5 : vector<1x512xf32>
    %add3A_28 = arith.addf %broadcast_in_dim3A, %mul3A_27 : vector<1x512xf32>
    %mul3A_29 = arith.constant 3.276800e+04 : f32
    %mul3A_30 = vector.broadcast %mul3A_29 : f32 to vector<1x512xf32>
    %mul3A_31 = arith.mulf %mul3A_30, %get3A_20 : vector<1x512xf32>
    %mul3A_32 = arith.mulf %mul3A_31, %get3A_20 : vector<1x512xf32>
    %add3A_33 = arith.addf %add3A_28, %mul3A_32 : vector<1x512xf32>
    %mul3A_34 = arith.constant 3.05175781E-5 : f32
    %mul3A_35 = vector.broadcast %mul3A_34 : f32 to vector<1x512xf32>
    %mul3A_36 = arith.mulf %add3A, %mul3A_35 : vector<1x512xf32>
    %mul3A_37 = arith.constant 3.05175781E-5 : f32
    %mul3A_38 = vector.broadcast %mul3A_37 : f32 to vector<1x512xf32>
    %mul3A_39 = arith.mulf %add3A_33, %mul3A_38 : vector<1x512xf32>
    %mul3A_40 = arith.mulf %mul3A_36, %mul3A_36 : vector<1x512xf32>
    %sub3A = arith.subf %mul3A_39, %mul3A_40 : vector<1x512xf32>
    %get3A_41 = arith.constant 0 : index
    %get3A_42 = arith.constant 0 : index
    %get3A_43 = vector.load %arg4[%get3A_41, %get3A_42] : memref<1x512xf32, #tpu.memory_space<vmem>>, vector<1x512xf32>
    %add3A_44 = arith.constant 9.99999974E-6 : f32
    %add3A_45 = vector.broadcast %add3A_44 : f32 to vector<1x512xf32>
    %add3A_46 = arith.addf %sub3A, %add3A_45 : vector<1x512xf32>
    %rsqrt3A = math.rsqrt %add3A_46 : vector<1x512xf32>
    %mul3A_47 = arith.mulf %get3A_43, %rsqrt3A : vector<1x512xf32>
    %get3A_48 = arith.constant 0 : index
    %get3A_49 = arith.constant 0 : index
    %get3A_50 = vector.load %arg5[%get3A_48, %get3A_49] : memref<1x512xf32, #tpu.memory_space<vmem>>, vector<1x512xf32>
    %mul3A_51 = arith.mulf %mul3A_36, %mul3A_47 : vector<1x512xf32>
    %sub3A_52 = arith.subf %get3A_50, %mul3A_51 : vector<1x512xf32>
    %swap3A = arith.constant 0 : index
    %swap3A_53 = arith.constant 0 : index
    %swap3A_54 = vector.load %arg7[%swap3A, %swap3A_53] : memref<1x512xf32, #tpu.memory_space<vmem>>, vector<1x512xf32>
    tpu.vector_store %arg7[%swap3A, %swap3A_53], %sub3A_52 {strides = array<i32>} : memref<1x512xf32, #tpu.memory_space<vmem>>, vector<1x512xf32>,
    %swap3A_55 = arith.constant 0 : index
    %swap3A_56 = arith.constant 0 : index
    %swap3A_57 = vector.load %arg6[%swap3A_55, %swap3A_56] : memref<1x512xf32, #tpu.memory_space<vmem>>, vector<1x512xf32>
    tpu.vector_store %arg6[%swap3A_55, %swap3A_56], %mul3A_47 {strides = array<i32>} : memref<1x512xf32, #tpu.memory_space<vmem>>, vector<1x512xf32>,
    return
  }
}

module attributes {stable_mosaic.version = 14 : i64} {
  func.func @_k3_body(%arg0: i32, %arg1: memref<4096x256xi32, #tpu.memory_space<vmem>>, %arg2: memref<1x512xf32, #tpu.memory_space<vmem>>, %arg3: memref<1x512xf32, #tpu.memory_space<vmem>>, %arg4: memref<1x512xf32, #tpu.memory_space<vmem>>, %arg5: memref<1x512xf32, #tpu.memory_space<vmem>>, %arg6: memref<512x512xf32, #tpu.memory_space<vmem>>, %arg7: memref<1x512xf32, #tpu.memory_space<vmem>>, %arg8: memref<1x512xf32, #tpu.memory_space<vmem>>, %arg9: memref<1x512xf32, #tpu.memory_space<vmem>>, %arg10: memref<4096x512xf32, #tpu.memory_space<vmem>>) attributes {dimension_semantics = [#tpu.dimension_semantics<arbitrary>], iteration_bounds = array<i64: 8>, scalar_prefetch = 0 : i64, scratch_operands = 0 : i64, tpu.core_type = #tpu.core_type<tc>, window_params = [{transform_indices = @transform_0, window_bounds = array<i64: 4096, 256>}, {pipeline_mode = #tpu.pipeline_mode<synchronous>, transform_indices = @transform_1, window_bounds = array<i64: 1, 512>}, {pipeline_mode = #tpu.pipeline_mode<synchronous>, transform_indices = @transform_2, window_bounds = array<i64: 1, 512>}, {pipeline_mode = #tpu.pipeline_mode<synchronous>, transform_indices = @transform_3, window_bounds = array<i64: 1, 512>}, {pipeline_mode = #tpu.pipeline_mode<synchronous>, transform_indices = @transform_4, window_bounds = array<i64: 1, 512>}, {pipeline_mode = #tpu.pipeline_mode<synchronous>, transform_indices = @transform_5, window_bounds = array<i64: 512, 512>}, {pipeline_mode = #tpu.pipeline_mode<synchronous>, transform_indices = @transform_6, window_bounds = array<i64: 1, 512>}, {pipeline_mode = #tpu.pipeline_mode<synchronous>, transform_indices = @transform_7, window_bounds = array<i64: 1, 512>}, {pipeline_mode = #tpu.pipeline_mode<synchronous>, transform_indices = @transform_8, window_bounds = array<i64: 1, 512>}, {transform_indices = @transform_9, window_bounds = array<i64: 4096, 512>}]} {
    %get3A = arith.constant 0 : index
    %get3A_0 = arith.constant 0 : index
    %get3A_1 = vector.load %arg2[%get3A, %get3A_0] : memref<1x512xf32, #tpu.memory_space<vmem>>, vector<1x512xf32>
    %get3A_2 = arith.constant 0 : index
    %get3A_3 = arith.constant 0 : index
    %get3A_4 = vector.load %arg3[%get3A_2, %get3A_3] : memref<1x512xf32, #tpu.memory_space<vmem>>, vector<1x512xf32>
    %get3A_5 = arith.constant 0 : index
    %get3A_6 = arith.constant 0 : index
    %get3A_7 = vector.load %arg4[%get3A_5, %get3A_6] : memref<1x512xf32, #tpu.memory_space<vmem>>, vector<1x512xf32>
    %get3A_8 = arith.constant 0 : index
    %get3A_9 = arith.constant 0 : index
    %get3A_10 = vector.load %arg5[%get3A_8, %get3A_9] : memref<1x512xf32, #tpu.memory_space<vmem>>, vector<1x512xf32>
    %mul3A = arith.constant 3.05175781E-5 : f32
    %mul3A_11 = vector.broadcast %mul3A : f32 to vector<1x512xf32>
    %mul3A_12 = arith.mulf %get3A_1, %mul3A_11 : vector<1x512xf32>
    %mul3A_13 = arith.constant 3.05175781E-5 : f32
    %mul3A_14 = vector.broadcast %mul3A_13 : f32 to vector<1x512xf32>
    %mul3A_15 = arith.mulf %get3A_4, %mul3A_14 : vector<1x512xf32>
    %mul3A_16 = arith.mulf %mul3A_12, %mul3A_12 : vector<1x512xf32>
    %sub3A = arith.subf %mul3A_15, %mul3A_16 : vector<1x512xf32>
    %add3A = arith.constant 9.99999974E-6 : f32
    %add3A_17 = vector.broadcast %add3A : f32 to vector<1x512xf32>
    %add3A_18 = arith.addf %sub3A, %add3A_17 : vector<1x512xf32>
    %rsqrt3A = math.rsqrt %add3A_18 : vector<1x512xf32>
    %mul3A_19 = arith.mulf %get3A_7, %rsqrt3A : vector<1x512xf32>
    %mul3A_20 = arith.mulf %mul3A_12, %mul3A_19 : vector<1x512xf32>
    %sub3A_21 = arith.subf %get3A_10, %mul3A_20 : vector<1x512xf32>
    %get3A_22 = arith.constant 0 : index
    %get3A_23 = arith.constant 0 : index
    %get3A_24 = vector.load %arg1[%get3A_22, %get3A_23] : memref<4096x256xi32, #tpu.memory_space<vmem>>, vector<4096x256xi32>
    %shift_left3A = arith.constant 16 : i32
    %shift_left3A_25 = vector.broadcast %shift_left3A : i32 to vector<4096x256xi32>
    %shift_left3A_26 = arith.shli %get3A_24, %shift_left3A_25 : vector<4096x256xi32>
    %bitcast_convert_type3A = tpu.bitcast %shift_left3A_26 : vector<4096x256xi32> -> vector<4096x256xf32>
    %and3A = arith.constant -65536 : i32
    %and3A_27 = vector.broadcast %and3A : i32 to vector<4096x256xi32>
    %and3A_28 = arith.andi %get3A_24, %and3A_27 : vector<4096x256xi32>
    %bitcast_convert_type3A_29 = tpu.bitcast %and3A_28 : vector<4096x256xi32> -> vector<4096x256xf32>
    %concatenate3A = tpu.concatenate %bitcast_convert_type3A, %bitcast_convert_type3A_29 in 1 : vector<4096x256xf32>, vector<4096x256xf32> -> vector<4096x512xf32>
    %mul3A_30 = vector.broadcast %mul3A_19 : vector<1x512xf32> to vector<4096x512xf32>
    %mul3A_31 = arith.mulf %concatenate3A, %mul3A_30 : vector<4096x512xf32>
    %add3A_32 = vector.broadcast %sub3A_21 : vector<1x512xf32> to vector<4096x512xf32>
    %add3A_33 = arith.addf %mul3A_31, %add3A_32 : vector<4096x512xf32>
    %max3A = arith.constant 0.000000e+00 : f32
    %max3A_34 = vector.broadcast %max3A : f32 to vector<4096x512xf32>
    %max3A_35 = arith.maximumf %add3A_33, %max3A_34 : vector<4096x512xf32>
    %get3A_36 = arith.constant 0 : index
    %get3A_37 = arith.constant 0 : index
    %get3A_38 = vector.load %arg6[%get3A_36, %get3A_37] : memref<512x512xf32, #tpu.memory_space<vmem>>, vector<512x512xf32>
    %dot_general3A = arith.constant dense<0.000000e+00> : vector<4096x512xf32>
    %dot_general3A_39 = tpu.matmul %max3A_35, %get3A_38, %dot_general3A {dimension_numbers = #tpu.dot_dimension_numbers<[1], [0], [0], [1], [0, 0, 1, 1], [], []>, transpose_lhs_hint = false} : vector<4096x512xf32>, vector<512x512xf32>, vector<4096x512xf32> -> vector<4096x512xf32>
    %get3A_40 = arith.constant 0 : index
    %get3A_41 = arith.constant 0 : index
    %get3A_42 = vector.load %arg7[%get3A_40, %get3A_41] : memref<1x512xf32, #tpu.memory_space<vmem>>, vector<1x512xf32>
    %add3A_43 = vector.broadcast %get3A_42 : vector<1x512xf32> to vector<4096x512xf32>
    %add3A_44 = arith.addf %dot_general3A_39, %add3A_43 : vector<4096x512xf32>
    %get3A_45 = arith.constant 0 : index
    %get3A_46 = arith.constant 0 : index
    %get3A_47 = vector.load %arg8[%get3A_45, %get3A_46] : memref<1x512xf32, #tpu.memory_space<vmem>>, vector<1x512xf32>
    %mul3A_48 = vector.broadcast %get3A_47 : vector<1x512xf32> to vector<4096x512xf32>
    %mul3A_49 = arith.mulf %add3A_44, %mul3A_48 : vector<4096x512xf32>
    %get3A_50 = arith.constant 0 : index
    %get3A_51 = arith.constant 0 : index
    %get3A_52 = vector.load %arg9[%get3A_50, %get3A_51] : memref<1x512xf32, #tpu.memory_space<vmem>>, vector<1x512xf32>
    %add3A_53 = vector.broadcast %get3A_52 : vector<1x512xf32> to vector<4096x512xf32>
    %add3A_54 = arith.addf %mul3A_49, %add3A_53 : vector<4096x512xf32>
    %max3A_55 = arith.constant 0.000000e+00 : f32
    %max3A_56 = vector.broadcast %max3A_55 : f32 to vector<4096x512xf32>
    %max3A_57 = arith.maximumf %add3A_54, %max3A_56 : vector<4096x512xf32>
    %swap3A = arith.constant 0 : index
    %swap3A_58 = arith.constant 0 : index
    %swap3A_59 = vector.load %arg10[%swap3A, %swap3A_58] : memref<4096x512xf32, #tpu.memory_space<vmem>>, vector<4096x512xf32>
    tpu.vector_store %arg10[%swap3A, %swap3A_58], %max3A_57 {strides = array<i32>} : memref<4096x512xf32, #tpu.memory_space<vmem>>, vector<4096x512xf32>,
    return
  }
  func.func @transform_0(%arg0: i32) -> (i32, i32) {
    %c0_i32 = arith.constant 0 : i32
    %c0_i32_0 = arith.constant 0 : i32
    return %arg0, %c0_i32 : i32, i32
  }
  func.func @transform_1(%arg0: i32) -> (i32, i32) {
    %c0_i32 = arith.constant 0 : i32
    %c0_i32_0 = arith.constant 0 : i32
    %c0_i32_1 = arith.constant 0 : i32
    return %c0_i32, %c0_i32_0 : i32, i32
  }
  func.func @transform_2(%arg0: i32) -> (i32, i32) {
    %c0_i32 = arith.constant 0 : i32
    %c0_i32_0 = arith.constant 0 : i32
    %c0_i32_1 = arith.constant 0 : i32
    return %c0_i32, %c0_i32_0 : i32, i32
  }
  func.func @transform_3(%arg0: i32) -> (i32, i32) {
    %c0_i32 = arith.constant 0 : i32
    %c0_i32_0 = arith.constant 0 : i32
    %c0_i32_1 = arith.constant 0 : i32
    return %c0_i32, %c0_i32_0 : i32, i32
  }
  func.func @transform_4(%arg0: i32) -> (i32, i32) {
    %c0_i32 = arith.constant 0 : i32
    %c0_i32_0 = arith.constant 0 : i32
    %c0_i32_1 = arith.constant 0 : i32
    return %c0_i32, %c0_i32_0 : i32, i32
  }
  func.func @transform_5(%arg0: i32) -> (i32, i32) {
    %c0_i32 = arith.constant 0 : i32
    %c0_i32_0 = arith.constant 0 : i32
    %c0_i32_1 = arith.constant 0 : i32
    return %c0_i32, %c0_i32_0 : i32, i32
  }
  func.func @transform_6(%arg0: i32) -> (i32, i32) {
    %c0_i32 = arith.constant 0 : i32
    %c0_i32_0 = arith.constant 0 : i32
    %c0_i32_1 = arith.constant 0 : i32
    return %c0_i32, %c0_i32_0 : i32, i32
  }
  func.func @transform_7(%arg0: i32) -> (i32, i32) {
    %c0_i32 = arith.constant 0 : i32
    %c0_i32_0 = arith.constant 0 : i32
    %c0_i32_1 = arith.constant 0 : i32
    return %c0_i32, %c0_i32_0 : i32, i32
  }
  func.func @transform_8(%arg0: i32) -> (i32, i32) {
    %c0_i32 = arith.constant 0 : i32
    %c0_i32_0 = arith.constant 0 : i32
    %c0_i32_1 = arith.constant 0 : i32
    return %c0_i32, %c0_i32_0 : i32, i32
  }
  func.func @transform_9(%arg0: i32) -> (i32, i32) {
    %c0_i32 = arith.constant 0 : i32
    %c0_i32_0 = arith.constant 0 : i32
    return %arg0, %c0_i32 : i32, i32
  }
}

</mosaic_0001>

<sc_bundles>
// kernel: kernel.9.cloned.1.call-start
scs
__scs_entry_jumppad:
0x0: {  	(pc) =	sbr.rel $0x88, $3  }
0x1: {  	(tag) =	ssettag $0x0;
	lr =	simm.s32 $0x1  }
0x2: {  	[smem:$0x3F94] =	sst lr;
	_ =	strace $0xD0000000  }
0x3: {  	_ = 	snop  }
0x4: {  	_ = 	snop  }
0x5: {  	_ = 	snop  }
0x6: {  	_ = 	snop  }
0x7: {  	_ = 	snop  }
__scs_overlays_trampoline_lowered:
0x8: {  	[smem:$0x3FA3] =	sst s0  }
0x9: {  	[smem:$0x3FA4] =	sst s1  }
0xa: {  	[smem:$0x3FA5] =	sst s2  }
0xb: {  	[smem:$0x3FA6] =	sst s3  }
0xc: {  	[smem:$0x3FA7] =	sst s4  }
0xd: {  	[smem:$0x3FA8] =	sst s5  }
0xe: {  	[smem:$0x3FA9] =	sst s6  }
0xf: {  	[smem:$0x3FAA] =	sst s7  }
0x10: {  	[smem:$0x3FAB] =	sst s8  }
0x11: {  	[smem:$0x3FAC] =	sst s9;
	s0 =	simm.s32 @!p0 $0x0  }
0x12: {  	s1 =	sld [smem:$0x3F92];
	s0 =	simm.s32 @p0 $0x1  }
0x13: {  	[smem:$0x3FAD] =	sst s0;
	s0 =	simm.s32 @!p1 $0x0  }
0x14: {  	s2 =	sld [smem:$0x3F91];
	s0 =	simm.s32 @p1 $0x1  }
0x15: {  	[smem:$0x3FAE] =	sst s0;
	s0 =	simm.s32 @!p2 $0x0  }
0x16: {  	s3 =	sld [smem:$0x3FDB];
	s0 =	simm.s32 @p2 $0x1  }
0x17: {  	s4 =	simm.s32 $0x1BF5;
	[smem:$0x3FB0] =	sst s0  }
0x18: {  	s0 =	sld [smem:$0x3F93];
	_ =	swait.ge [sflag:s4], $0x0  }
0x19: {  	s7 =	sld [smem:$0x3F94]  }
0x1a: {  	s8 =	sadd.s32 $0xFFFFE003, lr  }
0x1b: {  	s9 =	sadd.s32 $0xFFFFFEF7, lr;
	s5 =	simm.s32 $0xFFFFFFFF;
	p2 =	slt.u32 s8, $0xFFFFF086  }
0x1c: {  	p1 =	slt.u32 s9, $0xF7A;
	s5 =	simm.s32 @!p2 $0x0  }
0x1d: {  	s5 =	simm.s32 @p1 $0x1;
	p0 =	seq.s32 s7, s2  }
0x1e: {  	s7 =	smul.u32 @!p0 $0xF7A, s2;
	p2 =	seq.s32 @!p0 s5, $0x0  }
0x1f: {  	s9 =	smul.u32 $0xF7A, s1;
	s8 =	simm.s32 @!p0 $0x1BF5;
	p2 =	por !p2, p0  }
0x20: {  	[sflag:s8] =	ssyncset.s32 @!p0 $0xFFFFF086;
	s6 =	sadd.s32 @!p0 s3, s7;
	s7 =	simm.s32 @!p0 $0x108  }
0x21: {  	s3 =	sadd.s32 s3, s9;
	s6 =	sadd.s32 @!p0 $0x88, s6;
	s7 =	simm.s32 @p2 $0x1082  }
0x22: {  	[simem:s7], [sflag:s8] =	dma.local @!p0 [hbm:s6], $0xF7A  }
0x23: {  	s9 =	sor.u32 $0xD0000000, s2;
	s6 =	simm.s32 $0x108;
	_ =	swait.ge @!p0 [sflag:s8], $0x0  }
0x24: {  	s3 =	sadd.s32 $0x88, s3;
	s6 =	simm.s32 @!p1 $0x1082;
	[sflag:s4] =	ssyncset.s32 $0xFFFFF086  }
0x25: {  	[simem:s6], [sflag:s4] =	dma.local [hbm:s3], $0xF7A  }
0x26: {  	[smem:$0x3F94] =	sst s1;
	(tag) =	ssettag s2;
	_ =	strace s9  }
0x27: {  	s1 =	sld [smem:$0x3FA4]  }
0x28: {  	s2 =	sld [smem:$0x3FA5]  }
0x29: {  	s4 =	sld [smem:$0x3FA7]  }
0x2a: {  	p0 =	seq.s32 s5, $0x0;
	s5 =	sld [smem:$0x3FA8]  }
0x2b: {  	s6 =	sld [smem:$0x3FA9]  }
0x2c: {  	s7 =	sld [smem:$0x3FAA]  }
0x2d: {  	s3 =	simm.s32 $0x108;
	s8 =	sld [smem:$0x3FAB]  }
0x2e: {  	s3 =	simm.s32 @!p0 $0x1082;
	s9 =	sld [smem:$0x3FAC]  }
0x2f: {  	lr =	sadd.s32 s0, s3;
	s0 =	sld [smem:$0x3FA3]  }
0x30: {  	s3 =	sld [smem:$0x3FA6]  }
0x31: {  	[smem:$0x3FAF] =	sst s10  }
0x32: {  	s10 =	sld [smem:$0x3FAD];
	_ =	sdelay $0x3  }
0x33: {  	p0 =	seq.s32 s10, $0x1;
	s10 =	sld [smem:$0x3FAF];
	_ =	sdelay $0x3  }
0x34: {  	[smem:$0x3FAF] =	sst s10  }
0x35: {  	s10 =	sld [smem:$0x3FAE];
	_ =	sdelay $0x3  }
0x36: {  	p1 =	seq.s32 s10, $0x1;
	s10 =	sld [smem:$0x3FAF];
	_ =	sdelay $0x3  }
0x37: {  	[smem:$0x3FAF] =	sst s10  }
0x38: {  	s10 =	sld [smem:$0x3FB0]  }
0x39: {  	_ = 	snop;
	(pc) =	sbr.ind lr, $3  }
0x3a: {  	_ = 	snop  }
0x3b: {  	_ = 	snop  }
0x3c: {  	p2 =	seq.s32 s10, $0x1;
	s10 =	sld [smem:$0x3FAF]  }
0x3d: {  	_ =	shalt  }
0x3e: {  	_ =	shalt  }
0x3f: {  	_ =	shalt  }
0x40: {  	_ =	shalt  }
0x41: {  	_ =	shalt  }
0x42: {  	_ =	shalt  }
0x43: {  	_ =	shalt  }
0x44: {  	_ =	shalt  }
0x45: {  	_ =	shalt  }
0x46: {  	_ =	shalt  }
0x47: {  	_ =	shalt  }
0x48: {  	_ =	shalt  }
0x49: {  	_ =	shalt  }
0x4a: {  	_ =	shalt  }
0x4b: {  	_ =	shalt  }
0x4c: {  	_ =	shalt  }
0x4d: {  	_ =	shalt  }
0x4e: {  	_ =	shalt  }
0x4f: {  	_ =	shalt  }
0x50: {  	_ =	shalt  }
0x51: {  	_ =	shalt  }
0x52: {  	_ =	shalt  }
0x53: {  	_ =	shalt  }
0x54: {  	_ =	shalt  }
0x55: {  	_ =	shalt  }
0x56: {  	_ =	shalt  }
0x57: {  	_ =	shalt  }
0x58: {  	_ =	shalt  }
0x59: {  	_ =	shalt  }
0x5a: {  	_ =	shalt  }
0x5b: {  	_ =	shalt  }
0x5c: {  	_ =	shalt  }
0x5d: {  	_ =	shalt  }
0x5e: {  	_ =	shalt  }
0x5f: {  	_ =	shalt  }
0x60: {  	_ =	shalt  }
0x61: {  	_ =	shalt  }
0x62: {  	_ =	shalt  }
0x63: {  	_ =	shalt  }
0x64: {  	_ =	shalt  }
0x65: {  	_ =	shalt  }
0x66: {  	_ =	shalt  }
0x67: {  	_ =	shalt  }
0x68: {  	_ =	shalt  }
0x69: {  	_ =	shalt  }
0x6a: {  	_ =	shalt  }
0x6b: {  	_ =	shalt  }
0x6c: {  	_ =	shalt  }
0x6d: {  	_ =	shalt  }
0x6e: {  	_ =	shalt  }
0x6f: {  	_ =	shalt  }
0x70: {  	_ =	shalt  }
0x71: {  	_ =	shalt  }
0x72: {  	_ =	shalt  }
0x73: {  	_ =	shalt  }
0x74: {  	_ =	shalt  }
0x75: {  	_ =	shalt  }
0x76: {  	_ =	shalt  }
0x77: {  	_ =	shalt  }
0x78: {  	_ =	shalt  }
0x79: {  	_ =	shalt  }
0x7a: {  	_ =	shalt  }
0x7b: {  	_ =	shalt  }
0x7c: {  	_ =	shalt  }
0x7d: {  	_ =	shalt  }
0x7e: {  	_ =	shalt  }
0x7f: {  	_ =	shalt  }
0x80: {  	_ =	shalt  }
0x81: {  	_ =	shalt  }
0x82: {  	_ =	shalt  }
0x83: {  	_ =	shalt  }
0x84: {  	_ =	shalt  }
0x85: {  	_ =	shalt  }
0x86: {  	_ =	shalt  }
0x87: {  	_ =	shalt  }
.Lfunc_end0:
.L_simem_size_0:
called_computation_lowered:
.L_overlay_start_0:
0x88: {  	s2 =	sld [smem:$0x3FD9]  }
0x89: {  	s3 =	sld [smem:$0x3FFE];
	_ =	sdelay $0x1  }
0x8a: {  	s1 =	srdreg.scid  }
0x8b: {  	s0 =	sand.u32 $0x1, s1  }
0x8c: {  	s17 =	sshll.u32 s0, $0xA;
	s2 =	sadd.s32 s3, s2  }
0x8d: {  	s2 =	sadd.s32 s2, s17  }
0x8e: {  	[smem:$0x3FBB] =	sst s2  }
0x8f: {  	_ = 	snop  }
0x90: {  	s2 =	sld [smem:$0x3FD0];
	(tm) =	ssettm $0x1  }
0x91: {  	s18 =	sld [smem:$0x3FFB];
	_ =	sdelay $0x3  }
0x92: {  	_ =	strace s18  }
0x93: {  	s3 =	sld [smem:$0x3FFC];
	_ =	sdelay $0x3  }
0x94: {  	_ =	strace s3  }
0x95: {  	s3 =	sld [smem:$0x3FFD];
	_ =	sdelay $0x3  }
0x96: {  	_ =	strace s3  }
0x97: {  	_ =	strace $0x8FFFFFFF  }
0x98: {  	s19 =	sld [smem:$0x3FDB];
	_ =	sdelay $0x1  }
0x99: {  	s4 =	simm.s32 $_scs_section_size  }
0x9a: {  	s5 =	simm.s32 $_size__tile_overlayer_lowered;
	s6 =	simm.s32 $_tile_overlayer_lowered  }
0x9b: {  	s22 =	simm.s32 $0x1BFF;
	s21 =	sshll.u32 s6, $0x1;
	s3 =	sadd.s32 s4, s19  }
0x9c: {  	s7 =	simm.s32 $0x0;
	s20 =	sshll.u32 s5, $0x1;
	s5 =	sadd.s32 s21, s3  }
0x9d: {  	[timem:s7], [sflag:s22] =	dma.local [hbm:s5], s20  }
0x9e: {  	_ =	swait.ge [sflag:s22], s20  }
0x9f: {  	s4 =	ssub.s32 $0x0, s20;
	[sflag:s22] =	ssyncset.done $0x0  }
0xa0: {  	[sflag:s22] =	ssyncadd.s32 s4;
	_ =	sdelay $0x1  }
0xa1: {  	s23 =	simm.s32 $0x1B8B  }
0xa2: {  	_ =	swait.ge [sflag:s23], $0x1  }
0xa3: {  	[sflag:s23] =	ssyncset.done $0x0  }
0xa4: {  	s25 =	simm.s32 $0x1B8E;
	s24 =	sld [smem:$0x3FFE];
	[sflag:s23] =	ssyncadd.s32 $0xFFFFFFFF  }
0xa5: {  	s26 =	simm.s32 $execute0_lowered;
	[smem:$0x3FD2] =	sst s25  }
0xa6: {  	s5 =	sshll.u32 s26, $0x1;
	_ =	strace $0x80000046;
	[dreg:$0x1] =	wrdreg $0xFFFFFFFF  }
0xa7: {  	s28 =	simm.s32 $_size_execute0_lowered;
	s3 =	sadd.s32 s3, s5;
	[dreg:$0x0] =	wrdreg $0x0  }
0xa8: {  	s5 =	sshll.u32 s28, $0x1;
	[dreg:$0x2] =	wrdreg s3  }
0xa9: {  	[dreg:$0x3] =	wrdreg s5  }
0xaa: {  	[dreg:$0x4] =	wrdreg $0xC0  }
0xab: {  	_ =	task [dreg:s7], $0x5FFFF  }
0xac: {  	[dreg:$0x1] =	wrdreg $0xFFFFFFFF  }
0xad: {  	[dreg:$0x0] =	wrdreg $0x60  }
0xae: {  	[dreg:$0x2] =	wrdreg s2  }
0xaf: {  	[dreg:$0x3] =	wrdreg s24  }
0xb0: {  	[dreg:$0x4] =	wrdreg $0x9  }
0xb1: {  	_ =	task.clear_ibuf [dreg:s7], $0x5FFFF;
	_ =	strace $0x90000046  }
0xb2: {  	s29 =	simm.s32 $0x9;
	_ =	strace $0x80000048  }
0xb3: {  	_ =	swait.ge [sflag:s29], $0x1  }
0xb4: {  	[sflag:s29] =	ssyncadd.s32 $0xFFFFFFFF  }
0xb5: {  	_ =	strace $0x90000048  }
0xb6: {  	_ =	sfence  }
0xb7: {  	s30 =	sld [smem:$0x0];
	_ =	sdelay $0x2  }
0xb8: {  	s31 =	sshll.u32 s1, $0xD;
	s1 =	sshrl.u32 s1, $0x2  }
0xb9: {  	s3 =	sand.u32 $0x4000, s31;
	s1 =	sadd.s32 s1, s30  }
0xba: {  	s0 =	sor.u32 s3, s0;
	s1 =	sshll.u32 s1, $0x11  }
0xbb: {  	s0 =	sor.u32 s1, s0  }
0xbc: {  	s0 =	sadd.s32 $0x8F2B, s0  }
0xbd: {  	[sflag:s0] =	ssyncadd.remote.s32 $0x1  }
0xbe: {  	_ =	sfence.sel $0xFFFF  }
0xbf: {  	[dreg:$0x0] =	wrdreg $0xFFFFFFFF;
	(pc) =	sbr.abs _section_cstart, $3  }
0xc0: {  	[dreg:$0x1] =	wrdreg $0xFFFFFFFF  }
0xc1: {  	_ =	task.clear_ibuf [dreg:s7], $0x2FFFF;
	_ =	strace $0x9FFFFFFF  }
0xc2: {  	(tm) =	ssettm $0x7FFFFFFF  }
0xc3: {  	_ =	shalt  }
tec
execute0_lowered:
.L_overlay_start_1:
0x0: {  	(tag) =	ssettag $0x1  }
0x1: {  	s0 =	rddreg [dreg:$0x0]  }
0x2: {  	s1 =	rddreg [dreg:$0x1]  }
0x3: {  	s2 =	srdreg.scid;
	s8 =	stileid.u32;
	s6 =	simm.s32 $0x1  }
0x4: {  	s13 =	simm.s32 $0x80;
	s14 =	simm.s32 $0x400;
	s15 =	simm.s32 $0x8000  }
0x5: {  	s16 =	simm.s32 $0x8400;
	s17 =	simm.s32 $0x8800;
	s18 =	simm.s32 $0x8C00  }
0x6: {  	s19 =	simm.s32 $0x9000;
	s20 =	simm.s32 $0x9400;
	s3 =	sand.u32 $0x1, s2  }
0x7: {  	s21 =	simm.s32 $0x9800;
	s22 =	simm.s32 $0x0;
	s4 =	sshll.u32 s3, $0x4  }
0x8: {  	s2 =	simm.s32 $0x0;
	s5 =	sand.u32 $0x1, s8;
	s4 =	sor.u32 s8, s4  }
0x9: {  	s7 =	sadd.s32 $0x2C00, s1;
	p1 =	seq.s32 s5, $0x1;
	p0 =	seq.s32 s4, $0x0  }
0xa: {  	s10 =	sadd.s32 $0xAC00, s1;
	s28 =	sshll.u32 s8, $0xD;
	p0 =	por !p0, !p1  }
0xb: {  	[smem:$0x7FF] =	sst s2;
	s3 =	ssub.s32 $0x2, s3;
	p0 =	por !p0, !p0  }
0xc: {  	s26 =	sshll.u32 s4, $0xF;
	s4 =	sshrl.u32 s4, $0x1;
	s6 =	simm.s32 @!p0 $0x0  }
0xd: {  	s5 =	sand.u32 $0x2000, s28;
	_ =	strace $0x80000047;
	s4 =	ssub.s32 s4, s6  }
0xe: {  	s29 =	sshrl.u32 s3, $0x1;
	s30 =	sshll.u32 s4, $0xE;
	s4 =	sshll.u32 s4, $0xC  }
0xf: {  	v0 =	vlaneseq.u32;
	s12 =	ssub.s32 s3, s29;
	s3 =	simm.s32 $0x1;
	s4 =	sand.u32 $0x1FFFF000, s4  }
0x10: {  	v1 =	vor.u32 $0x10, v0;
	v2 =	vor.u32 $0x20, v0;
	v3 =	vor.u32 $0x30, v0;
	s1 =	sadd.s32 s26, s1;
	s5 =	sor.u32 s5, s30;
	s0 =	sadd.s32 s0, s4  }
0x11: {  	v4 =	vor.u32 $0x40, v0;
	v5 =	vor.u32 $0x50, v0;
	v6 =	vor.u32 $0x60, v0;
	s12 =	smax.u32 s12, $0x1;
	s8 =	sshrl.u32 s5, $0x3;
	[dreg:$0x3] =	wrdreg s0  }
0x12: {  	v7 =	vor.u32 $0x70, v0;
	v8 =	vor.u32 $0x400, v0;
	v9 =	vor.u32 $0x410, v0;
	s31 =	sor.u32 $0x10, s8;
	s11 =	sor.u32 $0x20, s8;
	s5 =	sadd.s32 s7, s8  }
0x13: {  	v10 =	vor.u32 $0x420, v0;
	v11 =	vor.u32 $0x430, v0;
	v12 =	vor.u32 $0x440, v0;
	s8 =	sadd.s32 s10, s8;
	s6 =	sadd.s32 s7, s31;
	s7 =	sadd.s32 s7, s11  }
0x14: {  	v13 =	vor.u32 $0x450, v0;
	v14 =	vor.u32 $0x460, v0;
	v15 =	vor.u32 $0x470, v0;
	s9 =	sadd.s32 s10, s31;
	s10 =	sadd.s32 s10, s11;
	s11 =	sadd.s32 $0x12C00, s1  }
.LBB2_1:
0x15: {  	s0 =	rddreg [dreg:$0x3]  }
0x16: {  	[tilespmem:s2], [sflag:$0x1] =	stream.linear.gather [hbm4b:s0+s2], $0x8000, $0x38;
	[tilespmem:$0xB800] =	vst v63  }
0x17: {  	_ =	swait.ge [sflag:s3], $0x8000  }
0x18: {  	[sflag:s3] =	ssyncset.done $0x0  }
0x19: {  	[sflag:s3] =	ssyncadd.s32 $0xFFFF8000  }
0x1a: {  	[tilespmem:s15], [sflag:$0x1] =	stream.strided.gather [hbm4b:s5+s13], $0x400, s14, s13, $0x38;
	[tilespmem:$0xB800] =	vst v63  }
0x1b: {  	_ =	swait.ge [sflag:s3], $0x400  }
0x1c: {  	[sflag:s3] =	ssyncset.done $0x0  }
0x1d: {  	[sflag:s3] =	ssyncadd.s32 $0xFFFFFC00  }
0x1e: {  	[tilespmem:s16], [sflag:$0x1] =	stream.strided.gather [hbm4b:s6+s13], $0x400, s14, s13, $0x38;
	[tilespmem:$0xB800] =	vst v63  }
0x1f: {  	_ =	swait.ge [sflag:s3], $0x400  }
0x20: {  	[sflag:s3] =	ssyncset.done $0x0  }
0x21: {  	[sflag:s3] =	ssyncadd.s32 $0xFFFFFC00  }
0x22: {  	[tilespmem:s17], [sflag:$0x1] =	stream.strided.gather [hbm4b:s7+s13], $0x400, s14, s13, $0x38;
	[tilespmem:$0xB800] =	vst v63  }
0x23: {  	_ =	swait.ge [sflag:s3], $0x400  }
0x24: {  	[sflag:s3] =	ssyncset.done $0x0  }
0x25: {  	[sflag:s3] =	ssyncadd.s32 $0xFFFFFC00  }
0x26: {  	[tilespmem:s18], [sflag:$0x1] =	stream.strided.gather [hbm4b:s8+s13], $0x400, s14, s13, $0x38;
	[tilespmem:$0xB800] =	vst v63  }
0x27: {  	_ =	swait.ge [sflag:s3], $0x400  }
0x28: {  	[sflag:s3] =	ssyncset.done $0x0  }
0x29: {  	[sflag:s3] =	ssyncadd.s32 $0xFFFFFC00  }
0x2a: {  	[tilespmem:s19], [sflag:$0x1] =	stream.strided.gather [hbm4b:s9+s13], $0x400, s14, s13, $0x38;
	[tilespmem:$0xB800] =	vst v63  }
0x2b: {  	_ =	swait.ge [sflag:s3], $0x400  }
0x2c: {  	[sflag:s3] =	ssyncset.done $0x0  }
0x2d: {  	[sflag:s3] =	ssyncadd.s32 $0xFFFFFC00  }
0x2e: {  	[tilespmem:s20], [sflag:$0x1] =	stream.strided.gather [hbm4b:s10+s13], $0x400, s14, s13, $0x38;
	[tilespmem:$0xB800] =	vst v63  }
0x2f: {  	_ =	swait.ge [sflag:s3], $0x400  }
0x30: {  	[sflag:s3] =	ssyncset.done $0x0  }
0x31: {  	s23 =	simm.s32 $0x0;
	s24 =	simm.s32 $0x0;
	[sflag:s3] =	ssyncadd.s32 $0xFFFFFC00  }
.LBB2_2:
0x32: {  	v16 =	vmov s23;
	_ =	sdelay $0x4  }
0x33: {  	v17 =	vld.idx.msk [tilespmem:v16+s16+$0x0], $0xffff  }
0x34: {  	v18 =	vld.idx.msk [tilespmem:v16+s15+$0x0], $0xffff;
	_ =	sdelay $0x1  }
0x35: {  	v19 =	vld.idx.msk [tilespmem:v16+s17+$0x0], $0xffff;
	_ =	sdelay $0x1  }
0x36: {  	v20 =	vshll.u32 v17, $0x7  }
0x37: {  	v21 =	vshll.u32 v18, $0x8;
	v17 =	vshll.u32 v17, $0x8;
	v18 =	vshll.u32 v18, $0x7  }
0x38: {  	v20 =	vand.u32 $0x380, v20;
	v21 =	vand.u32 $0xFFFFF800, v21;
	v17 =	vand.u32 $0xFFFFF800, v17  }
0x39: {  	v18 =	vand.u32 $0x380, v18;
	v17 =	vor.u32 v20, v17;
	v20 =	vshll.u32 v19, $0x8  }
0x3a: {  	v21 =	vor.u32 v18, v21;
	v18 =	vshll.u32 v19, $0x7;
	v22 =	vor.u32 v0, v17  }
0x3b: {  	v19 =	vand.u32 $0xFFFFF800, v20;
	v18 =	vand.u32 $0x380, v18;
	v23 =	vor.u32 v0, v21  }
0x3c: {  	v20 =	vor.u32 v18, v19  }
0x3d: {  	v24 =	vld.idx.msk [tilespmem:v16+s18+$0x0], $0xffff;
	v18 =	vor.u32 v0, v20  }
0x3e: {  	v19 =	vld.idx.msk [tilespmem:v16+s19+$0x0], $0xffff  }
0x3f: {  	v22 =	vld.idx.msk [tilespmem:v22+s2+$0x0], $0xffff  }
0x40: {  	v23 =	vld.idx.msk [tilespmem:v23+s2+$0x0], $0xffff  }
0x41: {  	v25 =	vld.idx.msk [tilespmem:v16+s20+$0x0], $0xffff  }
0x42: {  	v26 =	vld.idx.msk [tilespmem:v18+s2+$0x0], $0xffff;
	_ =	sdelay $0x1  }
0x43: {  	v16 =	vpack.i.f32.bf16 v19, v19;
	v19 =	vpack.i.f32.bf16 v24, v24  }
0x44: {  	v22 =	vmul.bf16 v22, v16;
	v23 =	vmul.bf16 v23, v19  }
0x45: {  	v18 =	vpack.i.f32.bf16 v25, v25  }
0x46: {  	v24 =	vor.u32 v1, v17;
	v22 =	vadd.bf16 v22, v23;
	v23 =	vmul.bf16 v26, v18  }
0x47: {  	s0 =	simm.s32 $0x0;
	v25 =	vor.u32 v1, v21  }
0x48: {  	s1 =	sand.u32 $0x1800, s0;
	s0 =	sand.u32 $0x380, s0;
	v22 =	vadd.bf16 v23, v22  }
0x49: {  	s25 =	sor.u32 s0, s1;
	v23 =	vor.u32 v1, v20  }
0x4a: {  	[tilespmem:s25+$0x9800] =	vst v22  }
0x4b: {  	v22 =	vld.idx.msk [tilespmem:v24+s2+$0x0], $0xffff  }
0x4c: {  	v24 =	vld.idx.msk [tilespmem:v25+s2+$0x0], $0xffff;
	_ =	sdelay $0x1  }
0x4d: {  	v23 =	vld.idx.msk [tilespmem:v23+s2+$0x0], $0xffff;
	_ =	sdelay $0x2  }
0x4e: {  	v22 =	vmul.bf16 v22, v16;
	v24 =	vmul.bf16 v24, v19;
	_ =	sdelay $0x1  }
0x4f: {  	v23 =	vmul.bf16 v23, v18;
	v22 =	vadd.bf16 v22, v24;
	v24 =	vor.u32 v2, v21  }
0x50: {  	v25 =	vor.u32 v2, v17  }
0x51: {  	v22 =	vadd.bf16 v23, v22  }
0x52: {  	v23 =	vor.u32 v2, v20  }
0x53: {  	[tilespmem:s25+$0x9810] =	vst v22  }
0x54: {  	v22 =	vld.idx.msk [tilespmem:v24+s2+$0x0], $0xffff  }
0x55: {  	v24 =	vld.idx.msk [tilespmem:v25+s2+$0x0], $0xffff  }
0x56: {  	s0 =	sadd.s32 $0x1, s23  }
0x57: {  	v25 =	vmov s0;
	v23 =	vld.idx.msk [tilespmem:v23+s2+$0x0], $0xffff;
	_ =	sdelay $0x2  }
0x58: {  	v22 =	vmul.bf16 v22, v19;
	v24 =	vmul.bf16 v24, v16;
	_ =	sdelay $0x1  }
0x59: {  	v26 =	vor.u32 v3, v21;
	v28 =	vld.idx.msk [tilespmem:v25+s15+$0x0], $0xffff;
	v22 =	vadd.bf16 v24, v22;
	v23 =	vmul.bf16 v23, v18  }
0x5a: {  	v27 =	vor.u32 v3, v17;
	v24 =	vld.idx.msk [tilespmem:v25+s16+$0x0], $0xffff  }
0x5b: {  	v22 =	vadd.bf16 v23, v22  }
0x5c: {  	v29 =	vor.u32 v3, v20;
	v23 =	vld.idx.msk [tilespmem:v25+s17+$0x0], $0xffff  }
0x5d: {  	[tilespmem:s25+$0x9820] =	vst v22  }
0x5e: {  	v30 =	vshll.u32 v28, $0x8;
	v22 =	vld.idx.msk [tilespmem:v26+s2+$0x0], $0xffff  }
0x5f: {  	v28 =	vshll.u32 v28, $0x7;
	v26 =	vshll.u32 v24, $0x7;
	v27 =	vld.idx.msk [tilespmem:v27+s2+$0x0], $0xffff;
	v24 =	vshll.u32 v24, $0x8  }
0x60: {  	v30 =	vand.u32 $0xFFFFF800, v30;
	v26 =	vand.u32 $0x380, v26;
	v24 =	vand.u32 $0xFFFFF800, v24  }
0x61: {  	v28 =	vand.u32 $0x380, v28;
	v29 =	vld.idx.msk [tilespmem:v29+s2+$0x0], $0xffff;
	v24 =	vor.u32 v26, v24;
	v31 =	vshll.u32 v23, $0x8  }
0x62: {  	v26 =	vor.u32 v28, v30;
	v23 =	vshll.u32 v23, $0x7;
	v32 =	vor.u32 v0, v24  }
0x63: {  	v28 =	vand.u32 $0xFFFFF800, v31;
	v23 =	vand.u32 $0x380, v23;
	v30 =	vor.u32 v0, v26  }
0x64: {  	v22 =	vmul.bf16 v22, v19;
	v31 =	vmul.bf16 v27, v16;
	v27 =	vor.u32 v23, v28  }
0x65: {  	v33 =	vld.idx.msk [tilespmem:v25+s18+$0x0], $0xffff;
	v23 =	vor.u32 v0, v27  }
0x66: {  	v28 =	vld.idx.msk [tilespmem:v25+s19+$0x0], $0xffff;
	v29 =	vmul.bf16 v29, v18;
	v22 =	vadd.bf16 v31, v22;
	v31 =	vor.u32 v4, v21  }
0x67: {  	v34 =	vor.u32 v4, v17;
	v32 =	vld.idx.msk [tilespmem:v32+s2+$0x0], $0xffff  }
0x68: {  	v22 =	vadd.bf16 v29, v22;
	v29 =	vld.idx.msk [tilespmem:v30+s2+$0x0], $0xffff  }
0x69: {  	v35 =	vld.idx.msk [tilespmem:v25+s20+$0x0], $0xffff;
	v30 =	vor.u32 v4, v20  }
0x6a: {  	[tilespmem:s25+$0x9830] =	vst v22;
	v36 =	vld.idx.msk [tilespmem:v23+s2+$0x0], $0xffff  }
0x6b: {  	v31 =	vld.idx.msk [tilespmem:v31+s2+$0x0], $0xffff  }
0x6c: {  	v25 =	vpack.i.f32.bf16 v33, v33;
	v22 =	vpack.i.f32.bf16 v28, v28;
	v28 =	vld.idx.msk [tilespmem:v34+s2+$0x0], $0xffff  }
0x6d: {  	v32 =	vmul.bf16 v32, v22;
	v29 =	vmul.bf16 v29, v25  }
0x6e: {  	v23 =	vpack.i.f32.bf16 v35, v35;
	v30 =	vld.idx.msk [tilespmem:v30+s2+$0x0], $0xffff  }
0x6f: {  	v50 =	vor.u32 v1, v24;
	v29 =	vadd.bf16 v32, v29;
	v49 =	vmul.bf16 v36, v23  }
0x70: {  	s4 =	simm.s32 $0x100;
	s26 =	simm.s32 $0x80;
	v51 =	vor.u32 v1, v26  }
0x71: {  	s26 =	sand.u32 $0x380, s26;
	s1 =	sand.u32 $0x1800, s4;
	v31 =	vmul.bf16 v31, v19;
	v28 =	vmul.bf16 v28, v16;
	v29 =	vadd.bf16 v49, v29  }
0x72: {  	s26 =	sor.u32 s26, s1;
	v52 =	vor.u32 v1, v27  }
0x73: {  	v28 =	vadd.bf16 v28, v31;
	v30 =	vmul.bf16 v30, v18;
	v31 =	vor.u32 v5, v21;
	[tilespmem:s26+$0x9800] =	vst v29  }
0x74: {  	v29 =	vor.u32 v5, v17;
	v33 =	vld.idx.msk [tilespmem:v50+s2+$0x0], $0xffff  }
0x75: {  	v28 =	vadd.bf16 v30, v28;
	v30 =	vld.idx.msk [tilespmem:v51+s2+$0x0], $0xffff  }
0x76: {  	v53 =	vor.u32 v5, v20  }
0x77: {  	v32 =	vld.idx.msk [tilespmem:v52+s2+$0x0], $0xffff;
	[tilespmem:s25+$0x9840] =	vst v28  }
0x78: {  	v28 =	vld.idx.msk [tilespmem:v31+s2+$0x0], $0xffff  }
0x79: {  	v29 =	vld.idx.msk [tilespmem:v29+s2+$0x0], $0xffff  }
0x7a: {  	v31 =	vmul.bf16 v33, v22;
	v30 =	vmul.bf16 v30, v25  }
0x7b: {  	v54 =	vld.idx.msk [tilespmem:v53+s2+$0x0], $0xffff  }
0x7c: {  	v32 =	vmul.bf16 v32, v23;
	v30 =	vadd.bf16 v31, v30;
	v31 =	vor.u32 v2, v26  }
0x7d: {  	v55 =	vor.u32 v2, v24  }
0x7e: {  	v28 =	vmul.bf16 v28, v19;
	v29 =	vmul.bf16 v29, v16;
	v30 =	vadd.bf16 v32, v30  }
0x7f: {  	v56 =	vor.u32 v2, v27  }
0x80: {  	v57 =	vor.u32 v6, v17;
	v28 =	vadd.bf16 v29, v28;
	v29 =	vmul.bf16 v54, v18;
	[tilespmem:s26+$0x9810] =	vst v30  }
0x81: {  	v30 =	vor.u32 v6, v21;
	v31 =	vld.idx.msk [tilespmem:v31+s2+$0x0], $0xffff  }
0x82: {  	v28 =	vadd.bf16 v29, v28;
	v29 =	vld.idx.msk [tilespmem:v55+s2+$0x0], $0xffff  }
0x83: {  	v58 =	vor.u32 v6, v20;
	s0 =	sadd.s32 $0x1, s0  }
0x84: {  	v60 =	vmov s0;
	[tilespmem:s25+$0x9850] =	vst v28;
	v28 =	vld.idx.msk [tilespmem:v56+s2+$0x0], $0xffff  }
0x85: {  	v59 =	vld.idx.msk [tilespmem:v57+s2+$0x0], $0xffff  }
0x86: {  	v30 =	vld.idx.msk [tilespmem:v30+s2+$0x0], $0xffff  }
0x87: {  	v31 =	vmul.bf16 v31, v25;
	v29 =	vmul.bf16 v29, v22  }
0x88: {  	v33 =	vld.idx.msk [tilespmem:v58+s2+$0x0], $0xffff  }
0x89: {  	v61 =	vld.idx.msk [tilespmem:v60+s16+$0x0], $0xffff;
	v29 =	vadd.bf16 v29, v31;
	v28 =	vmul.bf16 v28, v23  }
0x8a: {  	v37 =	vld.idx.msk [tilespmem:v60+s15+$0x0], $0xffff;
	v62 =	vor.u32 v3, v24;
	v31 =	vor.u32 v3, v26  }
0x8b: {  	v38 =	vld.idx.msk [tilespmem:v60+s17+$0x0], $0xffff;
	v32 =	vmul.bf16 v59, v16;
	v28 =	vadd.bf16 v28, v29;
	v29 =	vmul.bf16 v30, v19;
	_ =	sdelay $0x1  }
0x8c: {  	v30 =	vor.u32 v3, v27;
	[tilespmem:s26+$0x9820] =	vst v28;
	v28 =	vadd.bf16 v32, v29;
	v29 =	vmul.bf16 v33, v18  }
0x8d: {  	v63 =	vor.u32 v7, v21;
	v44 =	vor.u32 v7, v17;
	v45 =	vor.u32 v7, v20  }
0x8e: {  	v39 =	vshll.u32 v61, $0x7;
	v40 =	vshll.u32 v37, $0x8;
	v28 =	vadd.bf16 v29, v28;
	v29 =	vld.idx.msk [tilespmem:v62+s2+$0x0], $0xffff  }
0x8f: {  	v37 =	vshll.u32 v37, $0x7;
	v46 =	vshll.u32 v38, $0x8;
	v48 =	vshll.u32 v38, $0x7;
	v31 =	vld.idx.msk [tilespmem:v31+s2+$0x0], $0xffff  }
0x90: {  	v40 =	vand.u32 $0xFFFFF800, v40;
	v37 =	vand.u32 $0x380, v37;
	v35 =	vshll.u32 v61, $0x8  }
0x91: {  	v39 =	vand.u32 $0x380, v39;
	v35 =	vand.u32 $0xFFFFF800, v35;
	v32 =	vor.u32 v37, v40;
	v30 =	vld.idx.msk [tilespmem:v30+s2+$0x0], $0xffff  }
0x92: {  	v42 =	vld.idx.msk [tilespmem:v60+s19+$0x0], $0xffff;
	v50 =	vor.u32 v0, v32;
	[tilespmem:s25+$0x9860] =	vst v28;
	v28 =	vor.u32 v39, v35;
	v35 =	vand.u32 $0xFFFFF800, v46  }
0x93: {  	v34 =	vld.idx.msk [tilespmem:v60+s18+$0x0], $0xffff;
	v41 =	vor.u32 v0, v28;
	v49 =	vmul.bf16 v29, v22;
	v29 =	vand.u32 $0x380, v48  }
0x94: {  	v47 =	vld.idx.msk [tilespmem:v63+s2+$0x0], $0xffff;
	v31 =	vmul.bf16 v31, v25;
	v29 =	vor.u32 v29, v35  }
0x95: {  	v33 =	vld.idx.msk [tilespmem:v44+s2+$0x0], $0xffff;
	v53 =	vor.u32 v0, v29  }
0x96: {  	v36 =	vld.idx.msk [tilespmem:v45+s2+$0x0], $0xffff;
	v30 =	vmul.bf16 v30, v23;
	v31 =	vadd.bf16 v49, v31  }
0x97: {  	v52 =	vor.u32 v4, v26;
	v37 =	vld.idx.msk [tilespmem:v50+s2+$0x0], $0xffff  }
0x98: {  	v41 =	vld.idx.msk [tilespmem:v41+s2+$0x0], $0xffff;
	v30 =	vadd.bf16 v30, v31;
	v31 =	vor.u32 v4, v24  }
0x99: {  	v43 =	vor.u32 v4, v27;
	v51 =	vld.idx.msk [tilespmem:v60+s20+$0x0], $0xffff  }
0x9a: {  	v33 =	vmul.bf16 v33, v16;
	[tilespmem:s26+$0x9830] =	vst v30;
	v30 =	vmul.bf16 v47, v19;
	v54 =	vld.idx.msk [tilespmem:v53+s2+$0x0], $0xffff  }
0x9b: {  	v56 =	vor.u32 v8, v21;
	v36 =	vmul.bf16 v36, v18  }
0x9c: {  	v38 =	vld.idx.msk [tilespmem:v52+s2+$0x0], $0xffff;
	v55 =	vadd.bf16 v33, v30;
	v33 =	vpack.i.f32.bf16 v42, v42;
	v30 =	vpack.i.f32.bf16 v34, v34  }
0x9d: {  	v57 =	vor.u32 v8, v17;
	v44 =	vld.idx.msk [tilespmem:v31+s2+$0x0], $0xffff;
	v41 =	vmul.bf16 v41, v33;
	v37 =	vmul.bf16 v37, v30  }
0x9e: {  	v58 =	vor.u32 v8, v20;
	v31 =	vpack.i.f32.bf16 v51, v51;
	v36 =	vadd.bf16 v36, v55  }
0x9f: {  	v61 =	vor.u32 v1, v28;
	v43 =	vld.idx.msk [tilespmem:v43+s2+$0x0], $0xffff;
	v59 =	vadd.bf16 v41, v37;
	v60 =	vmul.bf16 v54, v31  }
0xa0: {  	s28 =	simm.s32 $0x100;
	s4 =	simm.s32 $0x200;
	v48 =	vor.u32 v1, v32;
	[tilespmem:s25+$0x9870] =	vst v36  }
0xa1: {  	s28 =	sand.u32 $0x380, s28;
	s1 =	sand.u32 $0x1800, s4;
	v34 =	vld.idx.msk [tilespmem:v56+s2+$0x0], $0xffff;
	v35 =	vadd.bf16 v60, v59  }
0xa2: {  	s28 =	sor.u32 s28, s1;
	v49 =	vor.u32 v1, v29;
	v62 =	vmul.bf16 v38, v25;
	v50 =	vld.idx.msk [tilespmem:v57+s2+$0x0], $0xffff;
	v63 =	vmul.bf16 v44, v22  }
0xa3: {  	v40 =	vld.idx.msk [tilespmem:v58+s2+$0x0], $0xffff;
	[tilespmem:s28+$0x9800] =	vst v35  }
0xa4: {  	v52 =	vor.u32 v5, v26;
	v51 =	vmul.bf16 v43, v23;
	v36 =	vadd.bf16 v63, v62;
	v39 =	vld.idx.msk [tilespmem:v61+s2+$0x0], $0xffff  }
0xa5: {  	v53 =	vor.u32 v5, v24;
	v54 =	vld.idx.msk [tilespmem:v48+s2+$0x0], $0xffff  }
0xa6: {  	v36 =	vadd.bf16 v51, v36  }
0xa7: {  	v56 =	vor.u32 v5, v27;
	v55 =	vld.idx.msk [tilespmem:v49+s2+$0x0], $0xffff;
	v34 =	vmul.bf16 v34, v19;
	v37 =	vmul.bf16 v50, v16  }
0xa8: {  	[tilespmem:s26+$0x9840] =	vst v36  }
0xa9: {  	v57 =	vor.u32 v9, v17;
	v40 =	vmul.bf16 v40, v18;
	v34 =	vadd.bf16 v37, v34;
	v36 =	vld.idx.msk [tilespmem:v52+s2+$0x0], $0xffff  }
0xaa: {  	v60 =	vor.u32 v9, v21;
	v35 =	vld.idx.msk [tilespmem:v53+s2+$0x0], $0xffff;
	v58 =	vmul.bf16 v39, v33;
	v38 =	vmul.bf16 v54, v30  }
0xab: {  	v62 =	vor.u32 v9, v20;
	v34 =	vadd.bf16 v40, v34  }
0xac: {  	v61 =	vor.u32 v2, v32;
	v59 =	vld.idx.msk [tilespmem:v56+s2+$0x0], $0xffff;
	v41 =	vmul.bf16 v55, v31;
	v37 =	vadd.bf16 v58, v38  }
0xad: {  	v63 =	vor.u32 v2, v28;
	[tilespmem:s25+$0x9C00] =	vst v34  }
0xae: {  	v49 =	vld.idx.msk [tilespmem:v57+s2+$0x0], $0xffff;
	v48 =	vadd.bf16 v41, v37  }
0xaf: {  	s0 =	sadd.s32 $0x1, s0;
	v51 =	vor.u32 v2, v29;
	v43 =	vld.idx.msk [tilespmem:v60+s2+$0x0], $0xffff;
	v36 =	vmul.bf16 v36, v25;
	v47 =	vmul.bf16 v35, v22  }
0xb0: {  	v42 =	vmov s0;
	v55 =	vld.idx.msk [tilespmem:v62+s2+$0x0], $0xffff;
	[tilespmem:s28+$0x9810] =	vst v48  }
0xb1: {  	v50 =	vor.u32 v6, v24;
	v52 =	vmul.bf16 v59, v23;
	v34 =	vadd.bf16 v47, v36;
	v38 =	vld.idx.msk [tilespmem:v61+s2+$0x0], $0xffff  }
0xb2: {  	v53 =	vor.u32 v6, v26;
	v54 =	vld.idx.msk [tilespmem:v63+s2+$0x0], $0xffff  }
0xb3: {  	v34 =	vadd.bf16 v52, v34  }
0xb4: {  	v56 =	vor.u32 v6, v27;
	v57 =	vld.idx.msk [tilespmem:v51+s2+$0x0], $0xffff  }
0xb5: {  	v46 =	vld.idx.msk [tilespmem:v42+s15+$0x0], $0xffff;
	v43 =	vmul.bf16 v43, v19;
	v37 =	vmul.bf16 v49, v16;
	[tilespmem:s26+$0x9850] =	vst v34  }
0xb6: {  	v58 =	vor.u32 v10, v20;
	v39 =	vmul.bf16 v55, v18;
	v41 =	vld.idx.msk [tilespmem:v50+s2+$0x0], $0xffff  }
0xb7: {  	v37 =	vadd.bf16 v37, v43;
	v35 =	vld.idx.msk [tilespmem:v53+s2+$0x0], $0xffff;
	v38 =	vmul.bf16 v38, v30;
	v36 =	vmul.bf16 v54, v33  }
0xb8: {  	v45 =	vor.u32 v10, v21;
	v60 =	vld.idx.msk [tilespmem:v42+s16+$0x0], $0xffff;
	v59 =	vor.u32 v3, v32  }
0xb9: {  	v40 =	vld.idx.msk [tilespmem:v56+s2+$0x0], $0xffff;
	v34 =	vmul.bf16 v57, v31;
	v37 =	vadd.bf16 v39, v37;
	v36 =	vadd.bf16 v36, v38  }
0xba: {  	v62 =	vor.u32 v10, v17;
	v61 =	vor.u32 v3, v28  }
0xbb: {  	v47 =	vld.idx.msk [tilespmem:v42+s17+$0x0], $0xffff;
	v48 =	vor.u32 v7, v27;
	[tilespmem:s25+$0x9C10] =	vst v37;
	v34 =	vadd.bf16 v34, v36  }
0xbc: {  	v63 =	vor.u32 v3, v29;
	v44 =	vld.idx.msk [tilespmem:v58+s2+$0x0], $0xffff;
	v41 =	vmul.bf16 v41, v22;
	v35 =	vmul.bf16 v35, v25  }
0xbd: {  	v55 =	vshll.u32 v46, $0x8;
	v49 =	vshll.u32 v60, $0x7;
	v46 =	vshll.u32 v46, $0x7;
	v45 =	vld.idx.msk [tilespmem:v45+s2+$0x0], $0xffff;
	[tilespmem:s28+$0x9820] =	vst v34  }
0xbe: {  	v53 =	vor.u32 v7, v26;
	v52 =	vmul.bf16 v40, v23;
	v51 =	vadd.bf16 v41, v35;
	v38 =	vld.idx.msk [tilespmem:v59+s2+$0x0], $0xffff  }
0xbf: {  	v49 =	vand.u32 $0x380, v49;
	v56 =	vand.u32 $0x380, v46;
	v54 =	vor.u32 v7, v24;
	v43 =	vld.idx.msk [tilespmem:v61+s2+$0x0], $0xffff  }
0xc0: {  	v39 =	vshll.u32 v60, $0x8;
	v50 =	vld.idx.msk [tilespmem:v62+s2+$0x0], $0xffff;
	v35 =	vand.u32 $0xFFFFF800, v55;
	v34 =	vadd.bf16 v52, v51  }
0xc1: {  	v57 =	vshll.u32 v47, $0x8;
	v39 =	vand.u32 $0xFFFFF800, v39;
	v37 =	vld.idx.msk [tilespmem:v63+s2+$0x0], $0xffff;
	v35 =	vor.u32 v56, v35  }
0xc2: {  	v59 =	vshll.u32 v47, $0x7;
	v63 =	vld.idx.msk [tilespmem:v42+s19+$0x0], $0xffff;
	v61 =	vor.u32 v0, v35;
	[tilespmem:s26+$0x9860] =	vst v34;
	v34 =	vor.u32 v49, v39  }
0xc3: {  	v40 =	vand.u32 $0xFFFFF800, v57;
	v36 =	vand.u32 $0x380, v59;
	v39 =	vld.idx.msk [tilespmem:v53+s2+$0x0], $0xffff;
	v58 =	vor.u32 v0, v34  }
0xc4: {  	v36 =	vor.u32 v36, v40;
	v41 =	vld.idx.msk [tilespmem:v54+s2+$0x0], $0xffff;
	v38 =	vmul.bf16 v38, v30;
	v43 =	vmul.bf16 v43, v33  }
0xc5: {  	v62 =	vor.u32 v4, v32;
	v56 =	vld.idx.msk [tilespmem:v42+s18+$0x0], $0xffff;
	v50 =	vmul.bf16 v50, v16;
	v52 =	vor.u32 v0, v36  }
0xc6: {  	v45 =	vmul.bf16 v45, v19;
	v60 =	vld.idx.msk [tilespmem:v48+s2+$0x0], $0xffff;
	v37 =	vmul.bf16 v37, v31;
	v38 =	vadd.bf16 v43, v38  }
0xc7: {  	v57 =	vor.u32 v4, v29;
	v51 =	vor.u32 v4, v28;
	v48 =	vld.idx.msk [tilespmem:v61+s2+$0x0], $0xffff  }
0xc8: {  	v44 =	vmul.bf16 v44, v18;
	v37 =	vadd.bf16 v37, v38;
	v46 =	vld.idx.msk [tilespmem:v58+s2+$0x0], $0xffff;
	v58 =	vadd.bf16 v50, v45  }
0xc9: {  	v53 =	vor.u32 v11, v17;
	v43 =	vld.idx.msk [tilespmem:v42+s20+$0x0], $0xffff;
	v39 =	vmul.bf16 v39, v25;
	v41 =	vmul.bf16 v41, v22  }
0xca: {  	v61 =	vor.u32 v11, v21;
	[tilespmem:s28+$0x9830] =	vst v37;
	v37 =	vadd.bf16 v44, v58;
	v44 =	vld.idx.msk [tilespmem:v52+s2+$0x0], $0xffff  }
0xcb: {  	v47 =	vmul.bf16 v60, v23;
	v41 =	vadd.bf16 v41, v39;
	v59 =	vld.idx.msk [tilespmem:v62+s2+$0x0], $0xffff  }
0xcc: {  	v39 =	vpack.i.f32.bf16 v63, v63;
	v60 =	vld.idx.msk [tilespmem:v51+s2+$0x0], $0xffff;
	v62 =	vor.u32 v11, v20  }
0xcd: {  	v42 =	vld.idx.msk [tilespmem:v57+s2+$0x0], $0xffff;
	v63 =	vadd.bf16 v47, v41;
	[tilespmem:s25+$0x9C20] =	vst v37;
	v37 =	vpack.i.f32.bf16 v56, v56  }
0xce: {  	v41 =	vor.u32 v8, v26;
	v46 =	vmul.bf16 v46, v39;
	v57 =	vld.idx.msk [tilespmem:v53+s2+$0x0], $0xffff;
	v58 =	vmul.bf16 v48, v37  }
0xcf: {  	v38 =	vpack.i.f32.bf16 v43, v43;
	v56 =	vor.u32 v8, v24;
	v61 =	vld.idx.msk [tilespmem:v61+s2+$0x0], $0xffff  }
0xd0: {  	[tilespmem:s26+$0x9870] =	vst v63;
	v63 =	vor.u32 v1, v36;
	v40 =	vadd.bf16 v46, v58;
	v44 =	vmul.bf16 v44, v38  }
0xd1: {  	s30 =	simm.s32 $0x180;
	s4 =	simm.s32 $0x300;
	v45 =	vmul.bf16 v59, v30;
	v59 =	vor.u32 v8, v27  }
0xd2: {  	s29 =	sand.u32 $0x380, s30;
	s1 =	sand.u32 $0x1800, s4;
	v54 =	vor.u32 v1, v34;
	v60 =	vmul.bf16 v60, v33;
	v62 =	vld.idx.msk [tilespmem:v62+s2+$0x0], $0xffff;
	v40 =	vadd.bf16 v44, v40  }
0xd3: {  	s29 =	sor.u32 s29, s1;
	v55 =	vor.u32 v1, v35;
	v58 =	vor.u32 v5, v32;
	v41 =	vld.idx.msk [tilespmem:v41+s2+$0x0], $0xffff  }
0xd4: {  	v42 =	vmul.bf16 v42, v31;
	v56 =	vld.idx.msk [tilespmem:v56+s2+$0x0], $0xffff;
	v43 =	vadd.bf16 v60, v45;
	[tilespmem:s29+$0x9800] =	vst v40  }
0xd5: {  	v57 =	vmul.bf16 v57, v16;
	v49 =	vmul.bf16 v61, v19;
	v60 =	vor.u32 v5, v29;
	v46 =	vld.idx.msk [tilespmem:v63+s2+$0x0], $0xffff  }
0xd6: {  	v42 =	vadd.bf16 v42, v43;
	v48 =	vld.idx.msk [tilespmem:v59+s2+$0x0], $0xffff;
	v59 =	vor.u32 v5, v28  }
0xd7: {  	v51 =	vld.idx.msk [tilespmem:v54+s2+$0x0], $0xffff;
	v47 =	vadd.bf16 v57, v49;
	v61 =	vmul.bf16 v62, v18;
	v62 =	vor.u32 v12, v21  }
0xd8: {  	v44 =	vld.idx.msk [tilespmem:v55+s2+$0x0], $0xffff;
	v63 =	vor.u32 v12, v17;
	[tilespmem:s28+$0x9840] =	vst v42  }
0xd9: {  	v41 =	vmul.bf16 v41, v25;
	v45 =	vmul.bf16 v56, v22;
	v43 =	vld.idx.msk [tilespmem:v58+s2+$0x0], $0xffff;
	v47 =	vadd.bf16 v61, v47  }
0xda: {  	v56 =	vor.u32 v12, v20;
	v58 =	vor.u32 v9, v24;
	v42 =	vld.idx.msk [tilespmem:v60+s2+$0x0], $0xffff  }
0xdb: {  	v41 =	vadd.bf16 v45, v41;
	[tilespmem:s25+$0x9C30] =	vst v47;
	v40 =	vld.idx.msk [tilespmem:v59+s2+$0x0], $0xffff;
	v57 =	vmul.bf16 v48, v23  }
0xdc: {  	v61 =	vor.u32 v9, v27;
	v59 =	vor.u32 v9, v26;
	v50 =	vld.idx.msk [tilespmem:v62+s2+$0x0], $0xffff  }
0xdd: {  	v60 =	vmul.bf16 v51, v39;
	v44 =	vmul.bf16 v44, v37;
	v62 =	vld.idx.msk [tilespmem:v63+s2+$0x0], $0xffff;
	v41 =	vadd.bf16 v57, v41  }
0xde: {  	v54 =	vor.u32 v2, v34;
	v55 =	vor.u32 v6, v28  }
0xdf: {  	v46 =	vmul.bf16 v46, v38;
	v63 =	vld.idx.msk [tilespmem:v56+s2+$0x0], $0xffff;
	v44 =	vadd.bf16 v60, v44;
	[tilespmem:s26+$0x9C00] =	vst v41  }
0xe0: {  	v43 =	vmul.bf16 v43, v30;
	v57 =	vor.u32 v2, v35;
	v40 =	vmul.bf16 v40, v33;
	v58 =	vld.idx.msk [tilespmem:v58+s2+$0x0], $0xffff  }
0xe1: {  	v42 =	vmul.bf16 v42, v31;
	v46 =	vadd.bf16 v46, v44;
	v53 =	vld.idx.msk [tilespmem:v59+s2+$0x0], $0xffff;
	v59 =	vor.u32 v2, v36  }
0xe2: {  	v44 =	vld.idx.msk [tilespmem:v61+s2+$0x0], $0xffff;
	v60 =	vmul.bf16 v50, v19;
	v61 =	vmul.bf16 v62, v16;
	v40 =	vadd.bf16 v40, v43  }
0xe3: {  	v49 =	vor.u32 v6, v29;
	v48 =	vor.u32 v6, v32;
	[tilespmem:s29+$0x9810] =	vst v46  }
0xe4: {  	v51 =	vld.idx.msk [tilespmem:v54+s2+$0x0], $0xffff;
	v63 =	vmul.bf16 v63, v18;
	v62 =	vadd.bf16 v61, v60;
	v40 =	vadd.bf16 v42, v40  }
0xe5: {  	v50 =	vld.idx.msk [tilespmem:v57+s2+$0x0], $0xffff;
	v42 =	vor.u32 v13, v21  }
0xe6: {  	v41 =	vor.u32 v13, v17;
	v43 =	vadd.bf16 v63, v62;
	v52 =	vld.idx.msk [tilespmem:v59+s2+$0x0], $0xffff;
	[tilespmem:s28+$0x9850] =	vst v40  }
0xe7: {  	s31 =	simm.s32 $0x400;
	s0 =	sadd.s32 $0x1, s0;
	v45 =	vmul.bf16 v53, v25;
	v46 =	vmul.bf16 v58, v22;
	v40 =	vor.u32 v13, v20;
	v47 =	vld.idx.msk [tilespmem:v55+s2+$0x0], $0xffff  }
.LBB2_3:
0xe8: {  	v53 =	vmov s0;
	p0 =	sne.s32 s31, $0x1F00;
	v48 =	vld.idx.msk [tilespmem:v48+s2+$0x0], $0xffff;
	s1 =	smov.u32 s31;
	s31 =	sadd.s32 $0x100, s31  }
0xe9: {  	v49 =	vld.idx.msk [tilespmem:v49+s2+$0x0], $0xffff;
	[tilespmem:s25+$0x9C40] =	vst v43  }
0xea: {  	v43 =	vmul.bf16 v50, v37;
	v50 =	vor.u32 v10, v27;
	v42 =	vld.idx.msk [tilespmem:v42+s2+$0x0], $0xffff  }
0xeb: {  	v45 =	vadd.bf16 v46, v45;
	v44 =	vmul.bf16 v44, v23;
	v51 =	vmul.bf16 v51, v39;
	v41 =	vld.idx.msk [tilespmem:v41+s2+$0x0], $0xffff  }
0xec: {  	v54 =	vor.u32 v10, v24;
	v46 =	vmul.bf16 v47, v33;
	v47 =	vor.u32 v10, v26;
	v40 =	vld.idx.msk [tilespmem:v40+s2+$0x0], $0xffff  }
0xed: {  	v44 =	vadd.bf16 v44, v45;
	v43 =	vadd.bf16 v51, v43;
	v51 =	vmul.bf16 v52, v38;
	v55 =	vld.idx.msk [tilespmem:v53+s17+$0x0], $0xffff  }
0xee: {  	v56 =	vor.u32 v3, v34;
	v52 =	vor.u32 v3, v35;
	v45 =	vld.idx.msk [tilespmem:v53+s16+$0x0], $0xffff  }
0xef: {  	v48 =	vmul.bf16 v48, v30;
	v43 =	vadd.bf16 v51, v43;
	v57 =	vld.idx.msk [tilespmem:v53+s15+$0x0], $0xffff;
	[tilespmem:s26+$0x9C10] =	vst v44  }
0xf0: {  	v51 =	vor.u32 v7, v32;
	v44 =	vor.u32 v3, v36;
	v42 =	vmul.bf16 v42, v19;
	v50 =	vld.idx.msk [tilespmem:v50+s2+$0x0], $0xffff  }
0xf1: {  	[tilespmem:s29+$0x9820] =	vst v43;
	v43 =	vadd.bf16 v46, v48;
	v46 =	vmul.bf16 v49, v31;
	v47 =	vld.idx.msk [tilespmem:v47+s2+$0x0], $0xffff  }
0xf2: {  	v41 =	vmul.bf16 v41, v16;
	v48 =	vor.u32 v7, v28;
	v49 =	vld.idx.msk [tilespmem:v54+s2+$0x0], $0xffff;
	v54 =	vor.u32 v14, v17  }
0xf3: {  	v40 =	vmul.bf16 v40, v18;
	v52 =	vld.idx.msk [tilespmem:v52+s2+$0x0], $0xffff;
	v43 =	vadd.bf16 v46, v43;
	v46 =	vor.u32 v14, v20  }
0xf4: {  	v58 =	vor.u32 v7, v29;
	v41 =	vadd.bf16 v41, v42;
	v42 =	vor.u32 v14, v21;
	v56 =	vld.idx.msk [tilespmem:v56+s2+$0x0], $0xffff  }
0xf5: {  	v61 =	vor.u32 v4, v36;
	v60 =	vshll.u32 v45, $0x7;
	v59 =	vshll.u32 v57, $0x8;
	v44 =	vld.idx.msk [tilespmem:v44+s2+$0x0], $0xffff;
	[tilespmem:s28+$0x9860] =	vst v43  }
0xf6: {  	v40 =	vadd.bf16 v40, v41;
	v43 =	vshll.u32 v45, $0x8;
	v45 =	vand.u32 $0x380, v60;
	v51 =	vld.idx.msk [tilespmem:v51+s2+$0x0], $0xffff  }
0xf7: {  	v57 =	vshll.u32 v57, $0x7;
	v41 =	vand.u32 $0xFFFFF800, v59;
	v43 =	vand.u32 $0xFFFFF800, v43;
	v48 =	vld.idx.msk [tilespmem:v48+s2+$0x0], $0xffff  }
0xf8: {  	v57 =	vand.u32 $0x380, v57;
	v43 =	vor.u32 v45, v43;
	v45 =	vshll.u32 v55, $0x8;
	[tilespmem:s25+$0x9C50] =	vst v40  }
0xf9: {  	v40 =	vor.u32 v0, v43;
	v45 =	vand.u32 $0xFFFFF800, v45;
	v52 =	vmul.bf16 v52, v37;
	v42 =	vld.idx.msk [tilespmem:v42+s2+$0x0], $0xffff  }
0xfa: {  	v41 =	vor.u32 v57, v41;
	v55 =	vshll.u32 v55, $0x7;
	v56 =	vmul.bf16 v56, v39;
	v54 =	vld.idx.msk [tilespmem:v54+s2+$0x0], $0xffff  }
0xfb: {  	v49 =	vmul.bf16 v49, v22;
	v55 =	vand.u32 $0x380, v55;
	v44 =	vmul.bf16 v44, v38;
	v57 =	vld.idx.msk [tilespmem:v58+s2+$0x0], $0xffff  }
0xfc: {  	v45 =	vor.u32 v55, v45;
	v52 =	vadd.bf16 v56, v52;
	v51 =	vmul.bf16 v51, v30;
	v46 =	vld.idx.msk [tilespmem:v46+s2+$0x0], $0xffff  }
0xfd: {  	v56 =	vor.u32 v0, v41;
	v58 =	vor.u32 v0, v45;
	v48 =	vmul.bf16 v48, v33;
	v55 =	vld.idx.msk [tilespmem:v53+s20+$0x0], $0xffff  }
0xfe: {  	v60 =	vor.u32 v4, v34;
	v44 =	vadd.bf16 v44, v52;
	v52 =	vor.u32 v4, v35;
	v59 =	vld.idx.msk [tilespmem:v53+s19+$0x0], $0xffff  }
0xff: {  	v47 =	vmul.bf16 v47, v25;
	v48 =	vadd.bf16 v48, v51;
	v42 =	vmul.bf16 v42, v19;
	v53 =	vld.idx.msk [tilespmem:v53+s18+$0x0], $0xffff  }
0x100: {  	v51 =	vmul.bf16 v54, v16;
	v40 =	vld.idx.msk [tilespmem:v40+s2+$0x0], $0xffff;
	[tilespmem:s29+$0x9830] =	vst v44;
	v44 =	vor.u32 v11, v24  }
0x101: {  	v47 =	vadd.bf16 v49, v47;
	v49 =	vmul.bf16 v50, v23;
	v50 =	vor.u32 v11, v27;
	v54 =	vld.idx.msk [tilespmem:v61+s2+$0x0], $0xffff  }
0x102: {  	v57 =	vmul.bf16 v57, v31;
	v42 =	vadd.bf16 v51, v42;
	v46 =	vmul.bf16 v46, v18;
	v56 =	vld.idx.msk [tilespmem:v56+s2+$0x0], $0xffff  }
0x103: {  	v47 =	vadd.bf16 v49, v47;
	v49 =	vor.u32 v15, v21;
	v51 =	vld.idx.msk [tilespmem:v52+s2+$0x0], $0xffff;
	v52 =	vor.u32 v15, v17  }
0x104: {  	v57 =	vadd.bf16 v57, v48;
	v59 =	vpack.i.f32.bf16 v59, v59;
	v42 =	vadd.bf16 v46, v42;
	v60 =	vld.idx.msk [tilespmem:v60+s2+$0x0], $0xffff  }
0x105: {  	s30 =	sadd.s32 $0x80, s30;
	v17 =	vmovc v24;
	v24 =	vmov v28;
	v28 =	vmov v34;
	v46 =	vld.idx.msk [tilespmem:v58+s2+$0x0], $0xffff;
	[tilespmem:s26+$0x9C20] =	vst v47;
	v47 =	vor.u32 v11, v26  }
0x106: {  	v34 =	vmov v43;
	v40 =	vmul.bf16 v40, v59;
	v44 =	vld.idx.msk [tilespmem:v44+s2+$0x0], $0xffff;
	[tilespmem:s25+$0x9C60] =	vst v42;
	v42 =	vor.u32 v15, v20  }
0x107: {  	v21 =	vmov v26;
	v48 =	vor.u32 v8, v32;
	v43 =	vpack.i.f32.bf16 v53, v53;
	[tilespmem:s28+$0x9870] =	vst v57;
	v50 =	vld.idx.msk [tilespmem:v50+s2+$0x0], $0xffff  }
0x108: {  	v26 =	vmovc v32;
	v32 =	vmov v35;
	v53 =	vmul.bf16 v56, v43;
	v56 =	vor.u32 v8, v24;
	v49 =	vld.idx.msk [tilespmem:v49+s2+$0x0], $0xffff  }
0x109: {  	v35 =	vmovc v41;
	v20 =	vmov v27;
	v57 =	vor.u32 v8, v29;
	v51 =	vmul.bf16 v51, v37;
	v52 =	vld.idx.msk [tilespmem:v52+s2+$0x0], $0xffff  }
0x10a: {  	v41 =	vpack.i.f32.bf16 v55, v55;
	v58 =	vadd.bf16 v40, v53;
	v40 =	vmul.bf16 v60, v39;
	v47 =	vld.idx.msk [tilespmem:v47+s2+$0x0], $0xffff  }
0x10b: {  	v55 =	vor.u32 v1, v45;
	v53 =	vor.u32 v1, v34;
	v46 =	vmul.bf16 v46, v41;
	v42 =	vld.idx.msk [tilespmem:v42+s2+$0x0], $0xffff  }
0x10c: {  	v40 =	vadd.bf16 v40, v51;
	v51 =	vmul.bf16 v54, v38;
	v44 =	vmul.bf16 v44, v22;
	v48 =	vld.idx.msk [tilespmem:v48+s2+$0x0], $0xffff  }
0x10d: {  	s1 =	sand.u32 $0x1800, s1;
	s4 =	sand.u32 $0x380, s30;
	v27 =	vmovc v29;
	v29 =	vmov v36;
	v54 =	vor.u32 v1, v35;
	v46 =	vadd.bf16 v46, v58;
	v56 =	vld.idx.msk [tilespmem:v56+s2+$0x0], $0xffff  }
0x10e: {  	s1 =	sor.u32 s4, s1;
	v40 =	vadd.bf16 v51, v40;
	v51 =	vor.u32 v5, v32;
	v19 =	vmul.bf16 v49, v19;
	v57 =	vld.idx.msk [tilespmem:v57+s2+$0x0], $0xffff  }
0x10f: {  	v36 =	vmovc v45;
	v49 =	vmul.bf16 v52, v16;
	v16 =	vmov v22;
	[tilespmem:s1+$0x9800] =	vst v46;
	v46 =	vor.u32 v5, v28  }
0x110: {  	v22 =	vmov v33;
	v47 =	vmul.bf16 v47, v25;
	v45 =	vld.idx.msk [tilespmem:v55+s2+$0x0], $0xffff;
	[tilespmem:s29+$0x9840] =	vst v40;
	v40 =	vor.u32 v5, v29  }
0x111: {  	v19 =	vadd.bf16 v49, v19;
	v18 =	vmul.bf16 v42, v18;
	v52 =	vld.idx.msk [tilespmem:v53+s2+$0x0], $0xffff;
	v53 =	vor.u32 v12, v21  }
0x112: {  	v44 =	vadd.bf16 v44, v47;
	v47 =	vmul.bf16 v50, v23;
	v42 =	vld.idx.msk [tilespmem:v54+s2+$0x0], $0xffff;
	v54 =	vmul.bf16 v48, v30  }
0x113: {  	v50 =	vor.u32 v12, v17;
	v49 =	vmul.bf16 v56, v22;
	v18 =	vadd.bf16 v18, v19;
	v48 =	vld.idx.msk [tilespmem:v51+s2+$0x0], $0xffff  }
0x114: {  	v51 =	vor.u32 v9, v24;
	v55 =	vadd.bf16 v47, v44;
	v44 =	vor.u32 v12, v20;
	v46 =	vld.idx.msk [tilespmem:v46+s2+$0x0], $0xffff  }
0x115: {  	v33 =	vmov v39;
	v47 =	vadd.bf16 v49, v54;
	v49 =	vmul.bf16 v57, v31;
	v40 =	vld.idx.msk [tilespmem:v40+s2+$0x0], $0xffff;
	[tilespmem:s25+$0x9C70] =	vst v18;
	s25 =	smov.u32 s26;
	s26 =	smov.u32 s28;
	s28 =	smov.u32 s29  }
0x116: {  	v39 =	vmovc v59;
	v54 =	vor.u32 v9, v26;
	v19 =	vmov v25;
	v45 =	vmul.bf16 v45, v41;
	s29 =	smov.u32 s1;
	[tilespmem:s25+$0x9C30] =	vst v55  }
0x117: {  	v52 =	vmul.bf16 v52, v39;
	v47 =	vadd.bf16 v49, v47;
	v49 =	vor.u32 v9, v27;
	v53 =	vld.idx.msk [tilespmem:v53+s2+$0x0], $0xffff  }
0x118: {  	v25 =	vmovc v30;
	v30 =	vmovc v37;
	v37 =	vmov v43;
	v18 =	vmov v23;
	v42 =	vmul.bf16 v42, v43;
	v50 =	vld.idx.msk [tilespmem:v50+s2+$0x0], $0xffff  }
0x119: {  	v23 =	vmovc v31;
	v31 =	vmov v38;
	v38 =	vmov v41;
	v43 =	vmul.bf16 v48, v30;
	[tilespmem:s26+$0x9C00] =	vst v47;
	v47 =	vld.idx.msk [tilespmem:v44+s2+$0x0], $0xffff  }
0x11a: {  	v41 =	vadd.bf16 v52, v42;
	v42 =	vor.u32 v2, v35;
	v44 =	vmul.bf16 v46, v33;
	v46 =	vld.idx.msk [tilespmem:v51+s2+$0x0], $0xffff  }
0x11b: {  	v52 =	vor.u32 v6, v28;
	v51 =	vor.u32 v2, v34;
	v54 =	vld.idx.msk [tilespmem:v54+s2+$0x0], $0xffff  }
0x11c: {  	v40 =	vmul.bf16 v40, v31;
	v41 =	vadd.bf16 v45, v41;
	v43 =	vadd.bf16 v44, v43;
	v44 =	vld.idx.msk [tilespmem:v49+s2+$0x0], $0xffff  }
0x11d: {  	v55 =	vor.u32 v2, v36;
	v45 =	vmul.bf16 v53, v19  }
.Ltmp0:
0x11e: {  	v48 =	vor.u32 v6, v32;
	v40 =	vadd.bf16 v40, v43;
	[tilespmem:s29+$0x9810] =	vst v41;
	v41 =	vmul.bf16 v50, v16;
	(pc) =	sbr.rel @p0 .LBB2_3-.Ltmp0, $4  }
0x11f: {  	v49 =	vor.u32 v6, v29;
	v50 =	vld.idx.msk [tilespmem:v42+s2+$0x0], $0xffff;
	v42 =	vor.u32 v13, v21  }
0x120: {  	v43 =	vmul.bf16 v47, v18;
	v51 =	vld.idx.msk [tilespmem:v51+s2+$0x0], $0xffff;
	[tilespmem:s28+$0x9850] =	vst v40;
	v40 =	vadd.bf16 v41, v45  }
0x121: {  	v46 =	vmul.bf16 v46, v22;
	v45 =	vmul.bf16 v54, v25;
	v41 =	vor.u32 v13, v17;
	v47 =	vld.idx.msk [tilespmem:v52+s2+$0x0], $0xffff  }
0x122: {  	s0 =	sadd.s32 $0x1, s0;
	v52 =	vld.idx.msk [tilespmem:v55+s2+$0x0], $0xffff;
	v43 =	vadd.bf16 v43, v40;
	v40 =	vor.u32 v13, v20  }
0x123: {  	_ =	sdelay $0x1  }
0x124: {  	v50 =	vmul.bf16 v50, v37;
	v51 =	vmul.bf16 v51, v39;
	_ =	sdelay $0x1  }
0x125: {  	v60 =	vor.u32 v3, v35;
	v50 =	vadd.bf16 v51, v50;
	v59 =	vmul.bf16 v52, v38  }
0x126: {  	v53 =	vor.u32 v3, v34  }
0x127: {  	v50 =	vadd.bf16 v59, v50  }
0x128: {  	v61 =	vor.u32 v3, v36  }
0x129: {  	[tilespmem:s29+$0x9820] =	vst v50  }
0x12a: {  	v50 =	vld.idx.msk [tilespmem:v60+s2+$0x0], $0xffff  }
0x12b: {  	v62 =	vld.idx.msk [tilespmem:v53+s2+$0x0], $0xffff;
	_ =	sdelay $0x1  }
0x12c: {  	v51 =	vld.idx.msk [tilespmem:v61+s2+$0x0], $0xffff;
	_ =	sdelay $0x2  }
0x12d: {  	v50 =	vmul.bf16 v50, v37;
	v52 =	vmul.bf16 v62, v39;
	_ =	sdelay $0x1  }
0x12e: {  	v63 =	vor.u32 v4, v35;
	v51 =	vmul.bf16 v51, v38;
	v50 =	vadd.bf16 v52, v50  }
0x12f: {  	v56 =	vor.u32 v4, v34  }
0x130: {  	v50 =	vadd.bf16 v51, v50  }
0x131: {  	v57 =	vor.u32 v4, v36  }
0x132: {  	[tilespmem:s29+$0x9830] =	vst v50  }
0x133: {  	v50 =	vld.idx.msk [tilespmem:v63+s2+$0x0], $0xffff  }
0x134: {  	v58 =	vld.idx.msk [tilespmem:v56+s2+$0x0], $0xffff;
	_ =	sdelay $0x1  }
0x135: {  	v51 =	vld.idx.msk [tilespmem:v57+s2+$0x0], $0xffff;
	_ =	sdelay $0x2  }
0x136: {  	v50 =	vmul.bf16 v50, v37;
	v52 =	vmul.bf16 v58, v39;
	_ =	sdelay $0x1  }
0x137: {  	v59 =	vor.u32 v5, v35;
	v51 =	vmul.bf16 v51, v38;
	v50 =	vadd.bf16 v52, v50  }
0x138: {  	v60 =	vor.u32 v5, v34  }
0x139: {  	v50 =	vadd.bf16 v51, v50  }
0x13a: {  	v61 =	vor.u32 v5, v36  }
0x13b: {  	[tilespmem:s29+$0x9840] =	vst v50  }
0x13c: {  	v50 =	vld.idx.msk [tilespmem:v59+s2+$0x0], $0xffff  }
0x13d: {  	v62 =	vld.idx.msk [tilespmem:v60+s2+$0x0], $0xffff;
	_ =	sdelay $0x1  }
0x13e: {  	v51 =	vld.idx.msk [tilespmem:v61+s2+$0x0], $0xffff;
	_ =	sdelay $0x2  }
0x13f: {  	v50 =	vmul.bf16 v50, v37;
	v52 =	vmul.bf16 v62, v39;
	_ =	sdelay $0x1  }
0x140: {  	v63 =	vor.u32 v6, v34;
	v51 =	vmul.bf16 v51, v38;
	v50 =	vadd.bf16 v52, v50  }
0x141: {  	v56 =	vor.u32 v6, v35  }
0x142: {  	v50 =	vadd.bf16 v51, v50  }
0x143: {  	v48 =	vld.idx.msk [tilespmem:v48+s2+$0x0], $0xffff;
	v57 =	vor.u32 v6, v36  }
0x144: {  	v49 =	vld.idx.msk [tilespmem:v49+s2+$0x0], $0xffff;
	[tilespmem:s29+$0x9850] =	vst v50  }
0x145: {  	v50 =	vld.idx.msk [tilespmem:v63+s2+$0x0], $0xffff  }
0x146: {  	v52 =	vld.idx.msk [tilespmem:v56+s2+$0x0], $0xffff;
	_ =	sdelay $0x1  }
0x147: {  	v47 =	vmul.bf16 v47, v33;
	v48 =	vmul.bf16 v48, v30;
	v51 =	vld.idx.msk [tilespmem:v57+s2+$0x0], $0xffff;
	_ =	sdelay $0x1  }
0x148: {  	v47 =	vadd.bf16 v47, v48;
	v59 =	vmul.bf16 v49, v31;
	v60 =	vor.u32 v7, v28  }
0x149: {  	v58 =	vor.u32 v7, v32;
	v50 =	vmul.bf16 v50, v39;
	v52 =	vmul.bf16 v52, v37  }
0x14a: {  	v61 =	vor.u32 v7, v29;
	v47 =	vadd.bf16 v59, v47  }
0x14b: {  	v54 =	vor.u32 v7, v35;
	v51 =	vmul.bf16 v51, v38;
	v50 =	vadd.bf16 v50, v52  }
0x14c: {  	[tilespmem:s28+$0x9860] =	vst v47;
	v62 =	vor.u32 v7, v34  }
0x14d: {  	v49 =	vld.idx.msk [tilespmem:v60+s2+$0x0], $0xffff;
	v50 =	vadd.bf16 v51, v50  }
0x14e: {  	v63 =	vld.idx.msk [tilespmem:v58+s2+$0x0], $0xffff;
	v56 =	vor.u32 v7, v36  }
0x14f: {  	v48 =	vld.idx.msk [tilespmem:v61+s2+$0x0], $0xffff;
	[tilespmem:s29+$0x9860] =	vst v50  }
0x150: {  	v50 =	vld.idx.msk [tilespmem:v54+s2+$0x0], $0xffff  }
0x151: {  	v47 =	vld.idx.msk [tilespmem:v62+s2+$0x0], $0xffff;
	_ =	sdelay $0x1  }
0x152: {  	v49 =	vmul.bf16 v49, v33;
	v52 =	vmul.bf16 v63, v30;
	v51 =	vld.idx.msk [tilespmem:v56+s2+$0x0], $0xffff;
	_ =	sdelay $0x1  }
0x153: {  	v48 =	vmul.bf16 v48, v31;
	v57 =	vor.u32 v8, v32;
	v49 =	vadd.bf16 v49, v52  }
0x154: {  	v58 =	vor.u32 v8, v28;
	v50 =	vmul.bf16 v50, v37;
	v47 =	vmul.bf16 v47, v39  }
0x155: {  	v59 =	vor.u32 v8, v29;
	v48 =	vadd.bf16 v48, v49  }
0x156: {  	v61 =	vor.u32 v8, v35;
	v60 =	vmul.bf16 v51, v38;
	v47 =	vadd.bf16 v47, v50  }
0x157: {  	v62 =	vor.u32 v8, v34;
	[tilespmem:s28+$0x9870] =	vst v48  }
0x158: {  	v52 =	vld.idx.msk [tilespmem:v57+s2+$0x0], $0xffff;
	v47 =	vadd.bf16 v60, v47  }
0x159: {  	v56 =	vor.u32 v8, v36;
	v63 =	vld.idx.msk [tilespmem:v58+s2+$0x0], $0xffff  }
0x15a: {  	v49 =	vld.idx.msk [tilespmem:v59+s2+$0x0], $0xffff;
	[tilespmem:s29+$0x9870] =	vst v47  }
0x15b: {  	v47 =	vld.idx.msk [tilespmem:v61+s2+$0x0], $0xffff  }
0x15c: {  	v48 =	vld.idx.msk [tilespmem:v62+s2+$0x0], $0xffff;
	_ =	sdelay $0x1  }
0x15d: {  	v57 =	vmul.bf16 v52, v30;
	v50 =	vmul.bf16 v63, v33;
	v58 =	vld.idx.msk [tilespmem:v56+s2+$0x0], $0xffff;
	_ =	sdelay $0x1  }
0x15e: {  	v59 =	vor.u32 v9, v28;
	v49 =	vmul.bf16 v49, v31;
	v50 =	vadd.bf16 v50, v57  }
0x15f: {  	v60 =	vor.u32 v9, v32;
	v47 =	vmul.bf16 v47, v37;
	v48 =	vmul.bf16 v48, v39  }
0x160: {  	v49 =	vadd.bf16 v49, v50;
	v61 =	vor.u32 v9, v29  }
0x161: {  	v62 =	vor.u32 v9, v34;
	v63 =	vmul.bf16 v58, v38;
	v47 =	vadd.bf16 v48, v47  }
0x162: {  	v56 =	vor.u32 v9, v35;
	[tilespmem:s28+$0x9C00] =	vst v49  }
0x163: {  	v57 =	vld.idx.msk [tilespmem:v59+s2+$0x0], $0xffff;
	v47 =	vadd.bf16 v63, v47  }
0x164: {  	v59 =	vor.u32 v9, v36;
	v58 =	vld.idx.msk [tilespmem:v60+s2+$0x0], $0xffff  }
0x165: {  	v50 =	vld.idx.msk [tilespmem:v61+s2+$0x0], $0xffff;
	[tilespmem:s29+$0x9C00] =	vst v47  }
0x166: {  	v47 =	vld.idx.msk [tilespmem:v62+s2+$0x0], $0xffff  }
0x167: {  	v49 =	vld.idx.msk [tilespmem:v56+s2+$0x0], $0xffff  }
0x168: {  	v45 =	vadd.bf16 v46, v45;
	v44 =	vmul.bf16 v44, v23;
	v60 =	vor.u32 v10, v26  }
0x169: {  	v61 =	vor.u32 v10, v24;
	v52 =	vmul.bf16 v57, v33;
	v48 =	vmul.bf16 v58, v30;
	v51 =	vld.idx.msk [tilespmem:v59+s2+$0x0], $0xffff  }
0x16a: {  	v44 =	vadd.bf16 v44, v45;
	v54 =	vor.u32 v10, v27  }
0x16b: {  	v63 =	vmul.bf16 v50, v31;
	v62 =	vadd.bf16 v52, v48;
	v56 =	vor.u32 v10, v32  }
0x16c: {  	[tilespmem:s26+$0x9C10] =	vst v44;
	v57 =	vor.u32 v10, v28;
	v49 =	vmul.bf16 v49, v37;
	v47 =	vmul.bf16 v47, v39  }
0x16d: {  	v46 =	vld.idx.msk [tilespmem:v60+s2+$0x0], $0xffff;
	v58 =	vor.u32 v10, v29;
	v45 =	vadd.bf16 v63, v62  }
0x16e: {  	v59 =	vld.idx.msk [tilespmem:v61+s2+$0x0], $0xffff;
	v61 =	vor.u32 v10, v35;
	v60 =	vmul.bf16 v51, v38;
	v47 =	vadd.bf16 v47, v49  }
0x16f: {  	v62 =	vld.idx.msk [tilespmem:v54+s2+$0x0], $0xffff;
	v63 =	vor.u32 v10, v34;
	[tilespmem:s28+$0x9C10] =	vst v45  }
0x170: {  	v50 =	vld.idx.msk [tilespmem:v56+s2+$0x0], $0xffff;
	v47 =	vadd.bf16 v60, v47  }
0x171: {  	v44 =	vld.idx.msk [tilespmem:v57+s2+$0x0], $0xffff;
	v56 =	vor.u32 v10, v36  }
0x172: {  	v52 =	vld.idx.msk [tilespmem:v58+s2+$0x0], $0xffff;
	[tilespmem:s29+$0x9C10] =	vst v47  }
0x173: {  	v46 =	vmul.bf16 v46, v25;
	v57 =	vmul.bf16 v59, v22;
	v58 =	vld.idx.msk [tilespmem:v61+s2+$0x0], $0xffff  }
0x174: {  	v45 =	vld.idx.msk [tilespmem:v63+s2+$0x0], $0xffff  }
0x175: {  	v59 =	vor.u32 v11, v24;
	v46 =	vadd.bf16 v57, v46;
	v60 =	vmul.bf16 v62, v23  }
0x176: {  	v44 =	vmul.bf16 v44, v33;
	v50 =	vmul.bf16 v50, v30;
	v61 =	vor.u32 v11, v26;
	v49 =	vld.idx.msk [tilespmem:v56+s2+$0x0], $0xffff  }
0x177: {  	v62 =	vor.u32 v11, v27;
	v46 =	vadd.bf16 v60, v46  }
0x178: {  	v47 =	vor.u32 v11, v28;
	v44 =	vadd.bf16 v44, v50;
	v63 =	vmul.bf16 v52, v31  }
0x179: {  	v56 =	vor.u32 v11, v32;
	[tilespmem:s26+$0x9C20] =	vst v46;
	v45 =	vmul.bf16 v45, v39;
	v48 =	vmul.bf16 v58, v37  }
0x17a: {  	v57 =	vor.u32 v11, v29;
	v51 =	vld.idx.msk [tilespmem:v59+s2+$0x0], $0xffff;
	v44 =	vadd.bf16 v63, v44  }
0x17b: {  	v59 =	vor.u32 v11, v34;
	v58 =	vld.idx.msk [tilespmem:v61+s2+$0x0], $0xffff;
	v60 =	vmul.bf16 v49, v38;
	v45 =	vadd.bf16 v45, v48  }
0x17c: {  	[tilespmem:s28+$0x9C20] =	vst v44;
	v61 =	vld.idx.msk [tilespmem:v62+s2+$0x0], $0xffff;
	v62 =	vor.u32 v11, v35  }
0x17d: {  	v47 =	vld.idx.msk [tilespmem:v47+s2+$0x0], $0xffff;
	v45 =	vadd.bf16 v60, v45  }
0x17e: {  	v63 =	vor.u32 v11, v36;
	v46 =	vld.idx.msk [tilespmem:v56+s2+$0x0], $0xffff  }
0x17f: {  	v52 =	vld.idx.msk [tilespmem:v57+s2+$0x0], $0xffff;
	[tilespmem:s29+$0x9C20] =	vst v45  }
0x180: {  	v56 =	vmul.bf16 v51, v22;
	v50 =	vmul.bf16 v58, v25;
	v57 =	vld.idx.msk [tilespmem:v59+s2+$0x0], $0xffff  }
0x181: {  	v44 =	vld.idx.msk [tilespmem:v62+s2+$0x0], $0xffff  }
0x182: {  	v58 =	vor.u32 v12, v26;
	v49 =	vmul.bf16 v61, v23;
	v45 =	vadd.bf16 v56, v50  }
0x183: {  	v47 =	vmul.bf16 v47, v33;
	v46 =	vmul.bf16 v46, v30;
	v59 =	vor.u32 v12, v24;
	v48 =	vld.idx.msk [tilespmem:v63+s2+$0x0], $0xffff  }
0x184: {  	[tilespmem:s25+$0x9C40] =	vst v43;
	v61 =	vor.u32 v12, v27;
	v60 =	vadd.bf16 v49, v45  }
0x185: {  	v42 =	vld.idx.msk [tilespmem:v42+s2+$0x0], $0xffff;
	v62 =	vor.u32 v12, v32;
	v46 =	vadd.bf16 v47, v46;
	v63 =	vmul.bf16 v52, v31  }
0x186: {  	v56 =	vor.u32 v12, v28;
	[tilespmem:s26+$0x9C30] =	vst v60;
	v51 =	vmul.bf16 v57, v39;
	v44 =	vmul.bf16 v44, v37  }
0x187: {  	v46 =	vadd.bf16 v63, v46;
	v57 =	vld.idx.msk [tilespmem:v58+s2+$0x0], $0xffff;
	v58 =	vor.u32 v12, v29  }
0x188: {  	v50 =	vld.idx.msk [tilespmem:v59+s2+$0x0], $0xffff;
	v59 =	vor.u32 v12, v35;
	v48 =	vmul.bf16 v48, v38;
	v44 =	vadd.bf16 v51, v44  }
0x189: {  	[tilespmem:s28+$0x9C30] =	vst v46;
	v60 =	vor.u32 v12, v34;
	v45 =	vld.idx.msk [tilespmem:v61+s2+$0x0], $0xffff  }
0x18a: {  	v49 =	vld.idx.msk [tilespmem:v62+s2+$0x0], $0xffff;
	v44 =	vadd.bf16 v48, v44  }
0x18b: {  	v43 =	vld.idx.msk [tilespmem:v56+s2+$0x0], $0xffff;
	v61 =	vor.u32 v12, v36  }
0x18c: {  	v47 =	vld.idx.msk [tilespmem:v58+s2+$0x0], $0xffff;
	[tilespmem:s29+$0x9C30] =	vst v44  }
0x18d: {  	v62 =	vmul.bf16 v57, v25;
	v50 =	vmul.bf16 v50, v22;
	v63 =	vld.idx.msk [tilespmem:v59+s2+$0x0], $0xffff  }
0x18e: {  	v46 =	vld.idx.msk [tilespmem:v60+s2+$0x0], $0xffff  }
0x18f: {  	v41 =	vld.idx.msk [tilespmem:v41+s2+$0x0], $0xffff;
	v56 =	vor.u32 v13, v26;
	v45 =	vmul.bf16 v45, v23;
	v44 =	vadd.bf16 v50, v62  }
0x190: {  	v57 =	vor.u32 v13, v24;
	v49 =	vmul.bf16 v49, v30;
	v43 =	vmul.bf16 v43, v33;
	v48 =	vld.idx.msk [tilespmem:v61+s2+$0x0], $0xffff  }
0x191: {  	v40 =	vld.idx.msk [tilespmem:v40+s2+$0x0], $0xffff;
	v42 =	vmul.bf16 v42, v19;
	v58 =	vor.u32 v13, v27;
	v44 =	vadd.bf16 v45, v44  }
0x192: {  	v59 =	vor.u32 v13, v32;
	v43 =	vadd.bf16 v43, v49;
	v47 =	vmul.bf16 v47, v31  }
0x193: {  	v60 =	vor.u32 v13, v28;
	[tilespmem:s26+$0x9C40] =	vst v44;
	v61 =	vmul.bf16 v63, v37;
	v46 =	vmul.bf16 v46, v39  }
0x194: {  	v41 =	vmul.bf16 v41, v16;
	v62 =	vld.idx.msk [tilespmem:v56+s2+$0x0], $0xffff;
	v43 =	vadd.bf16 v47, v43;
	v63 =	vor.u32 v13, v29  }
0x195: {  	v50 =	vld.idx.msk [tilespmem:v57+s2+$0x0], $0xffff;
	v56 =	vor.u32 v13, v35;
	v48 =	vmul.bf16 v48, v38;
	v46 =	vadd.bf16 v46, v61  }
0x196: {  	v40 =	vmul.bf16 v40, v18;
	v45 =	vld.idx.msk [tilespmem:v58+s2+$0x0], $0xffff;
	v57 =	vor.u32 v13, v34;
	[tilespmem:s28+$0x9C40] =	vst v43  }
0x197: {  	v41 =	vadd.bf16 v41, v42;
	v58 =	vor.u32 v14, v21;
	v49 =	vld.idx.msk [tilespmem:v59+s2+$0x0], $0xffff;
	v46 =	vadd.bf16 v48, v46  }
0x198: {  	v44 =	vld.idx.msk [tilespmem:v60+s2+$0x0], $0xffff;
	v48 =	vor.u32 v13, v36  }
0x199: {  	v40 =	vadd.bf16 v40, v41;
	v59 =	vor.u32 v14, v17;
	v41 =	vld.idx.msk [tilespmem:v63+s2+$0x0], $0xffff;
	[tilespmem:s29+$0x9C40] =	vst v46  }
0x19a: {  	v60 =	vor.u32 v14, v20;
	v61 =	vmul.bf16 v62, v25;
	v50 =	vmul.bf16 v50, v22;
	v62 =	vld.idx.msk [tilespmem:v56+s2+$0x0], $0xffff  }
0x19b: {  	[tilespmem:s25+$0x9C50] =	vst v40;
	v40 =	vld.idx.msk [tilespmem:v57+s2+$0x0], $0xffff  }
0x19c: {  	v42 =	vld.idx.msk [tilespmem:v58+s2+$0x0], $0xffff;
	v63 =	vmul.bf16 v45, v23;
	v56 =	vadd.bf16 v50, v61;
	v57 =	vor.u32 v14, v26  }
0x19d: {  	v58 =	vor.u32 v14, v24;
	v49 =	vmul.bf16 v49, v30;
	v44 =	vmul.bf16 v44, v33;
	v48 =	vld.idx.msk [tilespmem:v48+s2+$0x0], $0xffff  }
0x19e: {  	v52 =	vld.idx.msk [tilespmem:v59+s2+$0x0], $0xffff;
	v59 =	vor.u32 v14, v27;
	v43 =	vadd.bf16 v63, v56  }
0x19f: {  	v45 =	vld.idx.msk [tilespmem:v60+s2+$0x0], $0xffff;
	v60 =	vor.u32 v14, v32;
	v41 =	vmul.bf16 v41, v31;
	v44 =	vadd.bf16 v44, v49  }
0x1a0: {  	v61 =	vor.u32 v14, v28;
	[tilespmem:s26+$0x9C50] =	vst v43;
	v62 =	vmul.bf16 v62, v37;
	v40 =	vmul.bf16 v40, v39  }
0x1a1: {  	v63 =	vor.u32 v14, v29;
	v47 =	vld.idx.msk [tilespmem:v57+s2+$0x0], $0xffff;
	v41 =	vadd.bf16 v41, v44  }
0x1a2: {  	v56 =	vld.idx.msk [tilespmem:v58+s2+$0x0], $0xffff;
	v57 =	vor.u32 v14, v35;
	v48 =	vmul.bf16 v48, v38;
	v40 =	vadd.bf16 v40, v62  }
0x1a3: {  	v58 =	vld.idx.msk [tilespmem:v59+s2+$0x0], $0xffff;
	v59 =	vor.u32 v14, v34;
	[tilespmem:s28+$0x9C50] =	vst v41  }
0x1a4: {  	v46 =	vld.idx.msk [tilespmem:v60+s2+$0x0], $0xffff;
	v40 =	vadd.bf16 v48, v40  }
0x1a5: {  	v42 =	vmul.bf16 v42, v19;
	v52 =	vmul.bf16 v52, v16;
	v43 =	vld.idx.msk [tilespmem:v61+s2+$0x0], $0xffff;
	v60 =	vor.u32 v14, v36  }
0x1a6: {  	v51 =	vld.idx.msk [tilespmem:v63+s2+$0x0], $0xffff;
	[tilespmem:s29+$0x9C50] =	vst v40  }
0x1a7: {  	v45 =	vmul.bf16 v45, v18;
	v42 =	vadd.bf16 v52, v42;
	v61 =	vor.u32 v15, v21;
	v63 =	vld.idx.msk [tilespmem:v57+s2+$0x0], $0xffff  }
0x1a8: {  	v17 =	vor.u32 v15, v17;
	v62 =	vmul.bf16 v47, v25;
	v44 =	vmul.bf16 v56, v22;
	v41 =	vld.idx.msk [tilespmem:v59+s2+$0x0], $0xffff  }
0x1a9: {  	v53 =	vor.u32 v15, v26;
	v49 =	vor.u32 v15, v20;
	v42 =	vadd.bf16 v45, v42  }
0x1aa: {  	v56 =	vor.u32 v15, v24;
	v52 =	vmul.bf16 v58, v23;
	v40 =	vadd.bf16 v44, v62;
	v55 =	vld.idx.msk [tilespmem:v60+s2+$0x0], $0xffff  }
0x1ab: {  	[tilespmem:s25+$0x9C60] =	vst v42;
	v57 =	vor.u32 v15, v27;
	v54 =	vmul.bf16 v46, v30;
	v43 =	vmul.bf16 v43, v33  }
0x1ac: {  	v21 =	vld.idx.msk [tilespmem:v61+s2+$0x0], $0xffff;
	v59 =	vmul.bf16 v51, v31;
	v60 =	vor.u32 v15, v32;
	v40 =	vadd.bf16 v52, v40  }
0x1ad: {  	v17 =	vld.idx.msk [tilespmem:v17+s2+$0x0], $0xffff;
	v58 =	vadd.bf16 v43, v54;
	v61 =	vmul.bf16 v63, v37;
	v41 =	vmul.bf16 v41, v39  }
0x1ae: {  	v62 =	vor.u32 v15, v28;
	v20 =	vld.idx.msk [tilespmem:v49+s2+$0x0], $0xffff;
	v46 =	vor.u32 v15, v35;
	[tilespmem:s26+$0x9C60] =	vst v40  }
0x1af: {  	v63 =	vadd.bf16 v59, v58;
	v26 =	vld.idx.msk [tilespmem:v53+s2+$0x0], $0xffff;
	v45 =	vmul.bf16 v55, v38;
	v41 =	vadd.bf16 v41, v61  }
0x1b0: {  	v47 =	vor.u32 v15, v34;
	v24 =	vld.idx.msk [tilespmem:v56+s2+$0x0], $0xffff  }
0x1b1: {  	v48 =	vor.u32 v15, v29;
	v27 =	vld.idx.msk [tilespmem:v57+s2+$0x0], $0xffff;
	[tilespmem:s28+$0x9C60] =	vst v63;
	v49 =	vadd.bf16 v45, v41  }
0x1b2: {  	v50 =	vor.u32 v15, v36;
	v32 =	vld.idx.msk [tilespmem:v60+s2+$0x0], $0xffff  }
0x1b3: {  	v28 =	vld.idx.msk [tilespmem:v62+s2+$0x0], $0xffff;
	[tilespmem:s29+$0x9C60] =	vst v49  }
0x1b4: {  	v35 =	vld.idx.msk [tilespmem:v46+s2+$0x0], $0xffff  }
0x1b5: {  	v34 =	vld.idx.msk [tilespmem:v47+s2+$0x0], $0xffff  }
0x1b6: {  	v51 =	vmul.bf16 v21, v19;
	v16 =	vmul.bf16 v17, v16;
	v17 =	vld.idx.msk [tilespmem:v48+s2+$0x0], $0xffff  }
0x1b7: {  	v52 =	vmul.bf16 v20, v18;
	v53 =	vmul.bf16 v26, v25;
	v54 =	vld.idx.msk [tilespmem:v50+s2+$0x0], $0xffff  }
0x1b8: {  	v55 =	vmul.bf16 v24, v22;
	v56 =	vmul.bf16 v27, v23  }
0x1b9: {  	v16 =	vadd.bf16 v16, v51;
	v57 =	vmul.bf16 v32, v30;
	v58 =	vmul.bf16 v28, v33  }
0x1ba: {  	v20 =	vadd.bf16 v55, v53;
	v59 =	vmul.bf16 v35, v37;
	v60 =	vmul.bf16 v34, v39  }
0x1bb: {  	v16 =	vadd.bf16 v52, v16;
	v17 =	vmul.bf16 v17, v31;
	v61 =	vadd.bf16 v58, v57  }
0x1bc: {  	v62 =	vadd.bf16 v56, v20;
	v21 =	vmul.bf16 v54, v38;
	v63 =	vadd.bf16 v60, v59  }
0x1bd: {  	[tilespmem:s25+$0x9C70] =	vst v16;
	v16 =	vadd.bf16 v17, v61  }
0x1be: {  	s0 =	sshll.u32 s24, $0xA;
	s24 =	sadd.s32 $0x1, s24;
	[tilespmem:s26+$0x9C70] =	vst v62;
	v17 =	vadd.bf16 v21, v63  }
0x1bf: {  	p0 =	sne.s32 s24, $0x20;
	[tilespmem:s28+$0x9C70] =	vst v16  }
.Ltmp1:
0x1c0: {  	s0 =	sadd.s32 s0, s11;
	[tilespmem:s29+$0x9C70] =	vst v17;
	(pc) =	sbr.rel @p0 .LBB2_2-.Ltmp1, $4  }
0x1c1: {  	[hbm4b:s0+s2] =	stream.linear.scatter [tilespmem:s21], [sflag:$0x1], $0x2000, $0x38;
	[tilespmem:$0xB800] =	vst v63  }
0x1c2: {  	_ =	swait.ge [sflag:s3], $0x2000  }
0x1c3: {  	[sflag:s3] =	ssyncset.done $0x0  }
0x1c4: {  	s23 =	sadd.s32 $0x20, s23;
	[sflag:s3] =	ssyncadd.s32 $0xFFFFE000  }
0x1c5: {  	s22 =	sadd.s32 $0x1, s22  }
0x1c6: {  	p0 =	sne.s32 s22, s12  }
.Ltmp2:
0x1c7: {  	_ = 	snop;
	(pc) =	sbr.rel @p0 .LBB2_1-.Ltmp2, $1  }
0x1c8: {  	_ =	sdelay $0x3  }
0x1c9: {  	_ =	sfence.sel $0x180000  }
0x1ca: {  	[bflag:$0x0] =	sbarrier.arrive $0xFFFF  }
0x1cb: {  	_ =	strace $0x90000047  }
0x1cc: {  	s0 =	stileid.u32;
	[bflag:$0x2] =	sbarrier.arrive $0xFFFF  }
0x1cd: {  	p0 =	sne.s32 s0, $0x0;
	s0 =	rddreg [dreg:$0x2]  }
0x1ce: {  	s0 =	sadd.s32 @!p0 $0x100000, s0  }
0x1cf: {  	[sflag:s0] =	ssyncadd.tile.s32 @!p0 $0x1;
	_ =	shalt  }
.Lfunc_end2:
_tile_overlayer_lowered:
.L_overlay_start_2:
0x1d0: {  	(tag) =	ssettag $0x2  }
0x1d1: {  	s0 =	rddreg [dreg:$0x0];
	s2 =	stileid.u32  }
0x1d2: {  	s1 =	rddreg [dreg:$0x1];
	p0 =	sne.s32 s2, $0x0  }
0x1d3: {  	s3 =	rddreg [dreg:$0x2];
	[bflag:$0x3] =	sbarrier.arrive $0xFFFF;
	s2 =	simm.s32 @!p0 $0x1C01  }
0x1d4: {  	[timem:s3], [sflag:s2] =	dma.local @!p0 [hbm:s0], s1  }
0x1d5: {  	s0 =	simm.s32 @!p0 $0x1  }
0x1d6: {  	_ =	swait.ge @!p0 [sflag:s0], s1  }
0x1d7: {  	s1 =	ssub.s32 @!p0 $0x0, s1;
	[sflag:s0] =	ssyncset.done @!p0 $0x0  }
0x1d8: {  	[sflag:s0] =	ssyncadd.s32 @!p0 s1  }
0x1d9: {  	[bflag:$0x3] =	sbarrier.arrive $0xFFFF  }
0x1da: {  	_ =	shalt  }

</sc_bundles>
